<compile_context>
chip_gen: v7x
topology: tpu7x:2x2x1
jax: 0.10.2.dev20260603
libtpu: 0.0.44.dev20260713+nightly
codegen_flags: <defaults>
</compile_context>

<pallas_src>
import functools

import jax
import jax.numpy as jnp
from jax import lax
from jax.experimental import pallas as pl
from jax.experimental.pallas import tpu as pltpu
from jax.experimental.pallas import tpu_sc as plsc

C = 8
D = 4
V = 1000
B = 16384
L = 16
NC = 2
NS = 16
NW = NC * NS
BPW = B // NW
NV = BPW // L

LN2 = 0.6931471805599453
MIN_LL = -23.025850929940457
_P = [c * LN2 for c in (-2.153433788869514, 3.0475643969438027,
                        -1.051706410441485, 0.15822203552974923)]
_P0 = _P[0] - 127.0 * LN2


def _ln(s):
    bits = lax.bitcast_convert_type(s, jnp.int32)
    ef = lax.shift_right_arithmetic(bits, 23).astype(jnp.float32)
    mbits = (bits & 0x007FFFFF) | 0x3F800000
    m = lax.bitcast_convert_type(mbits, jnp.float32)
    p = _P[3]
    p = p * m + _P[2]
    p = p * m + _P[1]
    p = p * m + _P0
    return ef * LN2 + p


def _sc_body(esp_hbm, er_hbm, ann_hbm, atr_hbm, conf_hbm, out_hbm,
             esp_v, er_v, ann_v, atr_v, conf_v, out_v,
             sem0, sem1, sem2, sem3):
    wid = lax.axis_index("s") * NC + lax.axis_index("c")
    base = wid * BPW
    cp_r = pltpu.async_copy(er_hbm, er_v, sem0)
    cp_a = pltpu.async_copy(ann_hbm.at[pl.ds(base, BPW)], ann_v, sem1)
    cp_t = pltpu.async_copy(atr_hbm.at[pl.ds(base, BPW)], atr_v, sem2)
    cp_c = pltpu.async_copy(conf_hbm.at[pl.ds(base, BPW)], conf_v, sem3)
    pltpu.sync_copy(esp_hbm, esp_v)

    esp = [esp_v[i] for i in range(C * D)]

    cp_r.wait()
    cp_a.wait()
    cp_t.wait()
    cp_c.wait()

    @plsc.parallel_loop(0, NV, unroll=1)
    def body(j):
        off = j * L
        a_idx = ann_v[pl.ds(off, L)]
        t_idx = atr_v[pl.ds(off, L)]
        cvec = conf_v[pl.ds(off, L)]
        t4 = t_idx * D
        er = [plsc.load_gather(er_v, [t4 + d]) for d in range(D)]
        m = [a_idx == d for d in range(D - 1)]
        for c in range(C):
            t = [er[d] * esp[c * D + d] for d in range(D)]
            s = (t[0] + t[1]) + (t[2] + t[3])
            num = jnp.where(m[0], t[0],
                            jnp.where(m[1], t[1], jnp.where(m[2], t[2], t[3])))
            ll = jnp.maximum(_ln(num / s), MIN_LL)
            out_v[c, pl.ds(off, L)] = cvec * ll

    pltpu.sync_copy(out_v, out_hbm.at[:, pl.ds(base, BPW)])


_sc_call = functools.partial(
    pl.kernel,
    out_type=jax.ShapeDtypeStruct((C, B), jnp.float32),
    mesh=plsc.VectorSubcoreMesh(core_axis_name="c", subcore_axis_name="s"),
    compiler_params=pltpu.CompilerParams(needs_layout_passes=False),
    scratch_types=[
        pltpu.VMEM((C * D, L), jnp.float32),
        pltpu.VMEM((V * D,), jnp.float32),
        pltpu.VMEM((BPW,), jnp.int32),
        pltpu.VMEM((BPW,), jnp.int32),
        pltpu.VMEM((BPW,), jnp.float32),
        pltpu.VMEM((C, BPW), jnp.float32),
        pltpu.SemaphoreType.DMA,
        pltpu.SemaphoreType.DMA,
        pltpu.SemaphoreType.DMA,
        pltpu.SemaphoreType.DMA,
    ],
)(_sc_body)


def kernel(mu, random_effects, annotations, annotators, confidences):
    em = jnp.exp(mu)
    ems = (em - jnp.max(em, axis=1, keepdims=True)).reshape(C * D, 1)
    esp_splat = jnp.exp(jnp.broadcast_to(ems, (C * D, L)))
    return _sc_call(esp_splat, jnp.exp(random_effects.reshape(V * D)),
                    annotations.astype(jnp.int32),
                    annotators.astype(jnp.int32), confidences)

# --- scband reference (transcript-rebuilt; emitter-appended) ---
"""Pipeline reference for scband-document-edge-annotation-likelihood-88587995447372 (READ-ONLY COPY).

The authoritative reference and input builder live on the scoring server;
editing this copy changes nothing except your own understanding.
"""

import jax, jax.numpy as jnp
import numpy as np

MIN_LIKELIHOOD = 1e-10
N_COMPONENTS = 8
PROP_DIM = 4
NUM_ANNOTATORS = 1000
BATCH = 16384


def setup_inputs(seed: int = 0) -> dict:
    key = jax.random.key(seed)
    k1, k2, k3, k4, k5 = jax.random.split(key, 5)
    mu = jax.random.normal(k1, (N_COMPONENTS, PROP_DIM), dtype=jnp.float32)
    random_effects = jax.random.normal(k2, (NUM_ANNOTATORS, PROP_DIM), dtype=jnp.float32)
    annotations = jax.random.randint(k3, (BATCH,), 0, PROP_DIM, dtype=jnp.int64 if jax.config.jax_enable_x64 else jnp.int32)
    annotators = jax.random.randint(k4, (BATCH,), 0, NUM_ANNOTATORS, dtype=jnp.int64 if jax.config.jax_enable_x64 else jnp.int32)
    confidences = jax.random.uniform(k5, (BATCH,), dtype=jnp.float32)
    return {"mu": mu, "random_effects": random_effects, "annotations": annotations, "annotators": annotators, "confidences": confidences}


def reference(mu, random_effects, annotations, annotators, confidences):
    # mu: [C, D] per-component property mean; unsqueeze(1) -> [C, 1, D]
    mu_e = mu[:, None, :]
    # gather annotator random effects: [B, D] -> unsqueeze(0) -> [1, B, D]
    random = jnp.take(random_effects, annotators, axis=0)[None, :, :]
    # Categorical branch (prop_dim > 1): probs = softmax(exp(mu) + random, -1)
    logits = jnp.exp(mu_e) + random  # [C, B, D]
    probs = jax.nn.softmax(logits, axis=-1)
    logp = jnp.log(probs)
    # Categorical.log_prob(anno): gather log-prob at the annotated category
    idx = jnp.broadcast_to(annotations[None, :, None], (logp.shape[0], logp.shape[1], 1))
    ll = jnp.take_along_axis(logp, idx, axis=-1)[..., 0]  # [C, B]
    # floor the log-likelihood at log(MIN_LIKELIHOOD)
    min_ll = jnp.log(jnp.ones_like(ll) * MIN_LIKELIHOOD)
    ll = jnp.where(ll > min_ll, ll, min_ll)
    # confidence-weighted likelihood; single property -> total_ll == likelihoods[p]
    total_ll = confidences[None, :] * ll  # [C, B]
    return total_ll

if __name__ == "__main__":
    import jax
    _d = setup_inputs()
    print(jax.jit(kernel)(*tuple(_d.values())))

</pallas_src>

<mosaic_0001>
#map = affine_map<(d0, d1) -> (0, 0)>
#map1 = affine_map<(d0, d1) -> (0)>
module attributes {stable_mosaic.version = 14 : i64} {
  func.func @_sc_body(%arg0: i32, %arg1: i32, %arg2: memref<32x16xf32, #tpu.memory_space<hbm>>, %arg3: memref<4000xf32, #tpu.memory_space<hbm>>, %arg4: memref<16384xi32, #tpu.memory_space<hbm>>, %arg5: memref<16384xi32, #tpu.memory_space<hbm>>, %arg6: memref<16384xf32, #tpu.memory_space<hbm>>, %arg7: memref<8x16384xf32, #tpu.memory_space<hbm>>, %arg8: memref<32x16xf32, #tpu.memory_space<vmem>>, %arg9: memref<4000xf32, #tpu.memory_space<vmem>>, %arg10: memref<512xi32, #tpu.memory_space<vmem>>, %arg11: memref<512xi32, #tpu.memory_space<vmem>>, %arg12: memref<512xf32, #tpu.memory_space<vmem>>, %arg13: memref<8x512xf32, #tpu.memory_space<vmem>>, %arg14: memref<!tpu.dma_semaphore, #tpu.memory_space<semaphore_mem>>, %arg15: memref<!tpu.dma_semaphore, #tpu.memory_space<semaphore_mem>>, %arg16: memref<!tpu.dma_semaphore, #tpu.memory_space<semaphore_mem>>, %arg17: memref<!tpu.dma_semaphore, #tpu.memory_space<semaphore_mem>>) attributes {dimension_semantics = [#tpu.dimension_semantics<core_parallel>, #tpu.dimension_semantics<subcore_parallel>], iteration_bounds = array<i64: 2, 16>, scalar_prefetch = 0 : i64, scratch_operands = 10 : i64, tpu.core_type = #tpu.core_type<sc_vector_subcore>, window_params = [{transform_indices = #map}, {transform_indices = #map1}, {transform_indices = #map1}, {transform_indices = #map1}, {transform_indices = #map1}, {transform_indices = #map}]} {
    %mul3A = arith.constant 2 : i32
    %mul3A_0 = arith.muli %arg1, %mul3A : i32
    %add3A = arith.addi %mul3A_0, %arg0 : i32
    %mul3A_1 = arith.constant 512 : i32
    %mul3A_2 = arith.muli %add3A, %mul3A_1 : i32
    tpu.enqueue_dma source(%arg3 : memref<4000xf32, #tpu.memory_space<hbm>>) target(%arg9 : memref<4000xf32, #tpu.memory_space<vmem>>) target_semaphore(%arg14 : memref<!tpu.dma_semaphore, #tpu.memory_space<semaphore_mem>>)
    %dma_start3A = tpu.memref_slice %arg4[%mul3A_2] : memref<16384xi32, #tpu.memory_space<hbm>> -> memref<512xi32, #tpu.memory_space<hbm>>
    %dma_start3A_3 = tpu.memref_slice %arg4[%mul3A_2] : memref<16384xi32, #tpu.memory_space<hbm>> -> memref<512xi32, #tpu.memory_space<hbm>>
    tpu.enqueue_dma source(%dma_start3A_3 : memref<512xi32, #tpu.memory_space<hbm>>) target(%arg10 : memref<512xi32, #tpu.memory_space<vmem>>) target_semaphore(%arg15 : memref<!tpu.dma_semaphore, #tpu.memory_space<semaphore_mem>>)
    %dma_start3A_4 = tpu.memref_slice %arg5[%mul3A_2] : memref<16384xi32, #tpu.memory_space<hbm>> -> memref<512xi32, #tpu.memory_space<hbm>>
    %dma_start3A_5 = tpu.memref_slice %arg5[%mul3A_2] : memref<16384xi32, #tpu.memory_space<hbm>> -> memref<512xi32, #tpu.memory_space<hbm>>
    tpu.enqueue_dma source(%dma_start3A_5 : memref<512xi32, #tpu.memory_space<hbm>>) target(%arg11 : memref<512xi32, #tpu.memory_space<vmem>>) target_semaphore(%arg16 : memref<!tpu.dma_semaphore, #tpu.memory_space<semaphore_mem>>)
    %dma_start3A_6 = tpu.memref_slice %arg6[%mul3A_2] : memref<16384xf32, #tpu.memory_space<hbm>> -> memref<512xf32, #tpu.memory_space<hbm>>
    %dma_start3A_7 = tpu.memref_slice %arg6[%mul3A_2] : memref<16384xf32, #tpu.memory_space<hbm>> -> memref<512xf32, #tpu.memory_space<hbm>>
    tpu.enqueue_dma source(%dma_start3A_7 : memref<512xf32, #tpu.memory_space<hbm>>) target(%arg12 : memref<512xf32, #tpu.memory_space<vmem>>) target_semaphore(%arg17 : memref<!tpu.dma_semaphore, #tpu.memory_space<semaphore_mem>>)
    "tpu.region"() ({
      %run_scoped3A = tpu.sem_alloc : memref<!tpu.dma_semaphore, #tpu.memory_space<semaphore_mem>>
      tpu.enqueue_dma source(%arg2 : memref<32x16xf32, #tpu.memory_space<hbm>>) target(%arg8 : memref<32x16xf32, #tpu.memory_space<vmem>>) target_semaphore(%run_scoped3A : memref<!tpu.dma_semaphore, #tpu.memory_space<semaphore_mem>>)
      tpu.wait_dma2 semaphore(%run_scoped3A : memref<!tpu.dma_semaphore, #tpu.memory_space<semaphore_mem>>) src(%arg2 : memref<32x16xf32, #tpu.memory_space<hbm>>) dst(%arg8 : memref<32x16xf32, #tpu.memory_space<vmem>>)
      tpu.yield
    }) : () -> ()
    %get3A = arith.constant 0 : i32
    %get3A_8 = arith.index_cast %get3A : i32 to index
    %get3A_9 = arith.constant 0 : index
    %get3A_10 = tpu.vector_load %arg8[%get3A_8, %get3A_9] {strides = array<i32>} : memref<32x16xf32, #tpu.memory_space<vmem>>, vector<16xf32>,
    %get3A_11 = arith.constant 1 : i32
    %get3A_12 = arith.index_cast %get3A_11 : i32 to index
    %get3A_13 = arith.constant 0 : index
    %get3A_14 = tpu.vector_load %arg8[%get3A_12, %get3A_13] {strides = array<i32>} : memref<32x16xf32, #tpu.memory_space<vmem>>, vector<16xf32>,
    %get3A_15 = arith.constant 2 : i32
    %get3A_16 = arith.index_cast %get3A_15 : i32 to index
    %get3A_17 = arith.constant 0 : index
    %get3A_18 = tpu.vector_load %arg8[%get3A_16, %get3A_17] {strides = array<i32>} : memref<32x16xf32, #tpu.memory_space<vmem>>, vector<16xf32>,
    %get3A_19 = arith.constant 3 : i32
    %get3A_20 = arith.index_cast %get3A_19 : i32 to index
    %get3A_21 = arith.constant 0 : index
    %get3A_22 = tpu.vector_load %arg8[%get3A_20, %get3A_21] {strides = array<i32>} : memref<32x16xf32, #tpu.memory_space<vmem>>, vector<16xf32>,
    %get3A_23 = arith.constant 4 : i32
    %get3A_24 = arith.index_cast %get3A_23 : i32 to index
    %get3A_25 = arith.constant 0 : index
    %get3A_26 = tpu.vector_load %arg8[%get3A_24, %get3A_25] {strides = array<i32>} : memref<32x16xf32, #tpu.memory_space<vmem>>, vector<16xf32>,
    %get3A_27 = arith.constant 5 : i32
    %get3A_28 = arith.index_cast %get3A_27 : i32 to index
    %get3A_29 = arith.constant 0 : index
    %get3A_30 = tpu.vector_load %arg8[%get3A_28, %get3A_29] {strides = array<i32>} : memref<32x16xf32, #tpu.memory_space<vmem>>, vector<16xf32>,
    %get3A_31 = arith.constant 6 : i32
    %get3A_32 = arith.index_cast %get3A_31 : i32 to index
    %get3A_33 = arith.constant 0 : index
    %get3A_34 = tpu.vector_load %arg8[%get3A_32, %get3A_33] {strides = array<i32>} : memref<32x16xf32, #tpu.memory_space<vmem>>, vector<16xf32>,
    %get3A_35 = arith.constant 7 : i32
    %get3A_36 = arith.index_cast %get3A_35 : i32 to index
    %get3A_37 = arith.constant 0 : index
    %get3A_38 = tpu.vector_load %arg8[%get3A_36, %get3A_37] {strides = array<i32>} : memref<32x16xf32, #tpu.memory_space<vmem>>, vector<16xf32>,
    %get3A_39 = arith.constant 8 : i32
    %get3A_40 = arith.index_cast %get3A_39 : i32 to index
    %get3A_41 = arith.constant 0 : index
    %get3A_42 = tpu.vector_load %arg8[%get3A_40, %get3A_41] {strides = array<i32>} : memref<32x16xf32, #tpu.memory_space<vmem>>, vector<16xf32>,
    %get3A_43 = arith.constant 9 : i32
    %get3A_44 = arith.index_cast %get3A_43 : i32 to index
    %get3A_45 = arith.constant 0 : index
    %get3A_46 = tpu.vector_load %arg8[%get3A_44, %get3A_45] {strides = array<i32>} : memref<32x16xf32, #tpu.memory_space<vmem>>, vector<16xf32>,
    %get3A_47 = arith.constant 10 : i32
    %get3A_48 = arith.index_cast %get3A_47 : i32 to index
    %get3A_49 = arith.constant 0 : index
    %get3A_50 = tpu.vector_load %arg8[%get3A_48, %get3A_49] {strides = array<i32>} : memref<32x16xf32, #tpu.memory_space<vmem>>, vector<16xf32>,
    %get3A_51 = arith.constant 11 : i32
    %get3A_52 = arith.index_cast %get3A_51 : i32 to index
    %get3A_53 = arith.constant 0 : index
    %get3A_54 = tpu.vector_load %arg8[%get3A_52, %get3A_53] {strides = array<i32>} : memref<32x16xf32, #tpu.memory_space<vmem>>, vector<16xf32>,
    %get3A_55 = arith.constant 12 : i32
    %get3A_56 = arith.index_cast %get3A_55 : i32 to index
    %get3A_57 = arith.constant 0 : index
    %get3A_58 = tpu.vector_load %arg8[%get3A_56, %get3A_57] {strides = array<i32>} : memref<32x16xf32, #tpu.memory_space<vmem>>, vector<16xf32>,
    %get3A_59 = arith.constant 13 : i32
    %get3A_60 = arith.index_cast %get3A_59 : i32 to index
    %get3A_61 = arith.constant 0 : index
    %get3A_62 = tpu.vector_load %arg8[%get3A_60, %get3A_61] {strides = array<i32>} : memref<32x16xf32, #tpu.memory_space<vmem>>, vector<16xf32>,
    %get3A_63 = arith.constant 14 : i32
    %get3A_64 = arith.index_cast %get3A_63 : i32 to index
    %get3A_65 = arith.constant 0 : index
    %get3A_66 = tpu.vector_load %arg8[%get3A_64, %get3A_65] {strides = array<i32>} : memref<32x16xf32, #tpu.memory_space<vmem>>, vector<16xf32>,
    %get3A_67 = arith.constant 15 : i32
    %get3A_68 = arith.index_cast %get3A_67 : i32 to index
    %get3A_69 = arith.constant 0 : index
    %get3A_70 = tpu.vector_load %arg8[%get3A_68, %get3A_69] {strides = array<i32>} : memref<32x16xf32, #tpu.memory_space<vmem>>, vector<16xf32>,
    %get3A_71 = arith.constant 16 : i32
    %get3A_72 = arith.index_cast %get3A_71 : i32 to index
    %get3A_73 = arith.constant 0 : index
    %get3A_74 = tpu.vector_load %arg8[%get3A_72, %get3A_73] {strides = array<i32>} : memref<32x16xf32, #tpu.memory_space<vmem>>, vector<16xf32>,
    %get3A_75 = arith.constant 17 : i32
    %get3A_76 = arith.index_cast %get3A_75 : i32 to index
    %get3A_77 = arith.constant 0 : index
    %get3A_78 = tpu.vector_load %arg8[%get3A_76, %get3A_77] {strides = array<i32>} : memref<32x16xf32, #tpu.memory_space<vmem>>, vector<16xf32>,
    %get3A_79 = arith.constant 18 : i32
    %get3A_80 = arith.index_cast %get3A_79 : i32 to index
    %get3A_81 = arith.constant 0 : index
    %get3A_82 = tpu.vector_load %arg8[%get3A_80, %get3A_81] {strides = array<i32>} : memref<32x16xf32, #tpu.memory_space<vmem>>, vector<16xf32>,
    %get3A_83 = arith.constant 19 : i32
    %get3A_84 = arith.index_cast %get3A_83 : i32 to index
    %get3A_85 = arith.constant 0 : index
    %get3A_86 = tpu.vector_load %arg8[%get3A_84, %get3A_85] {strides = array<i32>} : memref<32x16xf32, #tpu.memory_space<vmem>>, vector<16xf32>,
    %get3A_87 = arith.constant 20 : i32
    %get3A_88 = arith.index_cast %get3A_87 : i32 to index
    %get3A_89 = arith.constant 0 : index
    %get3A_90 = tpu.vector_load %arg8[%get3A_88, %get3A_89] {strides = array<i32>} : memref<32x16xf32, #tpu.memory_space<vmem>>, vector<16xf32>,
    %get3A_91 = arith.constant 21 : i32
    %get3A_92 = arith.index_cast %get3A_91 : i32 to index
    %get3A_93 = arith.constant 0 : index
    %get3A_94 = tpu.vector_load %arg8[%get3A_92, %get3A_93] {strides = array<i32>} : memref<32x16xf32, #tpu.memory_space<vmem>>, vector<16xf32>,
    %get3A_95 = arith.constant 22 : i32
    %get3A_96 = arith.index_cast %get3A_95 : i32 to index
    %get3A_97 = arith.constant 0 : index
    %get3A_98 = tpu.vector_load %arg8[%get3A_96, %get3A_97] {strides = array<i32>} : memref<32x16xf32, #tpu.memory_space<vmem>>, vector<16xf32>,
    %get3A_99 = arith.constant 23 : i32
    %get3A_100 = arith.index_cast %get3A_99 : i32 to index
    %get3A_101 = arith.constant 0 : index
    %get3A_102 = tpu.vector_load %arg8[%get3A_100, %get3A_101] {strides = array<i32>} : memref<32x16xf32, #tpu.memory_space<vmem>>, vector<16xf32>,
    %get3A_103 = arith.constant 24 : i32
    %get3A_104 = arith.index_cast %get3A_103 : i32 to index
    %get3A_105 = arith.constant 0 : index
    %get3A_106 = tpu.vector_load %arg8[%get3A_104, %get3A_105] {strides = array<i32>} : memref<32x16xf32, #tpu.memory_space<vmem>>, vector<16xf32>,
    %get3A_107 = arith.constant 25 : i32
    %get3A_108 = arith.index_cast %get3A_107 : i32 to index
    %get3A_109 = arith.constant 0 : index
    %get3A_110 = tpu.vector_load %arg8[%get3A_108, %get3A_109] {strides = array<i32>} : memref<32x16xf32, #tpu.memory_space<vmem>>, vector<16xf32>,
    %get3A_111 = arith.constant 26 : i32
    %get3A_112 = arith.index_cast %get3A_111 : i32 to index
    %get3A_113 = arith.constant 0 : index
    %get3A_114 = tpu.vector_load %arg8[%get3A_112, %get3A_113] {strides = array<i32>} : memref<32x16xf32, #tpu.memory_space<vmem>>, vector<16xf32>,
    %get3A_115 = arith.constant 27 : i32
    %get3A_116 = arith.index_cast %get3A_115 : i32 to index
    %get3A_117 = arith.constant 0 : index
    %get3A_118 = tpu.vector_load %arg8[%get3A_116, %get3A_117] {strides = array<i32>} : memref<32x16xf32, #tpu.memory_space<vmem>>, vector<16xf32>,
    %get3A_119 = arith.constant 28 : i32
    %get3A_120 = arith.index_cast %get3A_119 : i32 to index
    %get3A_121 = arith.constant 0 : index
    %get3A_122 = tpu.vector_load %arg8[%get3A_120, %get3A_121] {strides = array<i32>} : memref<32x16xf32, #tpu.memory_space<vmem>>, vector<16xf32>,
    %get3A_123 = arith.constant 29 : i32
    %get3A_124 = arith.index_cast %get3A_123 : i32 to index
    %get3A_125 = arith.constant 0 : index
    %get3A_126 = tpu.vector_load %arg8[%get3A_124, %get3A_125] {strides = array<i32>} : memref<32x16xf32, #tpu.memory_space<vmem>>, vector<16xf32>,
    %get3A_127 = arith.constant 30 : i32
    %get3A_128 = arith.index_cast %get3A_127 : i32 to index
    %get3A_129 = arith.constant 0 : index
    %get3A_130 = tpu.vector_load %arg8[%get3A_128, %get3A_129] {strides = array<i32>} : memref<32x16xf32, #tpu.memory_space<vmem>>, vector<16xf32>,
    %get3A_131 = arith.constant 31 : i32
    %get3A_132 = arith.index_cast %get3A_131 : i32 to index
    %get3A_133 = arith.constant 0 : index
    %get3A_134 = tpu.vector_load %arg8[%get3A_132, %get3A_133] {strides = array<i32>} : memref<32x16xf32, #tpu.memory_space<vmem>>, vector<16xf32>,
    tpu.wait_dma2 semaphore(%arg14 : memref<!tpu.dma_semaphore, #tpu.memory_space<semaphore_mem>>) src(%arg3 : memref<4000xf32, #tpu.memory_space<hbm>>) dst(%arg9 : memref<4000xf32, #tpu.memory_space<vmem>>)
    %dma_wait3A = tpu.memref_slice %arg4[%mul3A_2] : memref<16384xi32, #tpu.memory_space<hbm>> -> memref<512xi32, #tpu.memory_space<hbm>>
    %dma_wait3A_135 = tpu.memref_slice %arg4[%mul3A_2] : memref<16384xi32, #tpu.memory_space<hbm>> -> memref<512xi32, #tpu.memory_space<hbm>>
    tpu.wait_dma2 semaphore(%arg15 : memref<!tpu.dma_semaphore, #tpu.memory_space<semaphore_mem>>) src(%dma_wait3A_135 : memref<512xi32, #tpu.memory_space<hbm>>) dst(%arg10 : memref<512xi32, #tpu.memory_space<vmem>>)
    %dma_wait3A_136 = tpu.memref_slice %arg5[%mul3A_2] : memref<16384xi32, #tpu.memory_space<hbm>> -> memref<512xi32, #tpu.memory_space<hbm>>
    %dma_wait3A_137 = tpu.memref_slice %arg5[%mul3A_2] : memref<16384xi32, #tpu.memory_space<hbm>> -> memref<512xi32, #tpu.memory_space<hbm>>
    tpu.wait_dma2 semaphore(%arg16 : memref<!tpu.dma_semaphore, #tpu.memory_space<semaphore_mem>>) src(%dma_wait3A_137 : memref<512xi32, #tpu.memory_space<hbm>>) dst(%arg11 : memref<512xi32, #tpu.memory_space<vmem>>)
    %dma_wait3A_138 = tpu.memref_slice %arg6[%mul3A_2] : memref<16384xf32, #tpu.memory_space<hbm>> -> memref<512xf32, #tpu.memory_space<hbm>>
    %dma_wait3A_139 = tpu.memref_slice %arg6[%mul3A_2] : memref<16384xf32, #tpu.memory_space<hbm>> -> memref<512xf32, #tpu.memory_space<hbm>>
    tpu.wait_dma2 semaphore(%arg17 : memref<!tpu.dma_semaphore, #tpu.memory_space<semaphore_mem>>) src(%dma_wait3A_139 : memref<512xf32, #tpu.memory_space<hbm>>) dst(%arg12 : memref<512xf32, #tpu.memory_space<vmem>>)
    %parallel_loop3A = arith.constant 0 : i32
    %parallel_loop3A_140 = arith.constant 32 : i32
    %parallel_loop3A_141 = arith.constant 1 : i32
    scf.for %parallel_loop3A_142 = %parallel_loop3A to %parallel_loop3A_140 step %parallel_loop3A_141  : i32 {
      %parallel_loop3A_143 = arith.constant 16 : i32
      %parallel_loop3A_144 = arith.muli %parallel_loop3A_142, %parallel_loop3A_143 : i32
      %parallel_loop3A_145 = arith.index_cast %parallel_loop3A_144 : i32 to index
      %parallel_loop3A_146 = tpu.vector_load %arg10[%parallel_loop3A_145] {strides = array<i32>} : memref<512xi32, #tpu.memory_space<vmem>>, vector<16xi32>,
      %parallel_loop3A_147 = arith.index_cast %parallel_loop3A_144 : i32 to index
      %parallel_loop3A_148 = tpu.vector_load %arg11[%parallel_loop3A_147] {strides = array<i32>} : memref<512xi32, #tpu.memory_space<vmem>>, vector<16xi32>,
      %parallel_loop3A_149 = arith.index_cast %parallel_loop3A_144 : i32 to index
      %parallel_loop3A_150 = tpu.vector_load %arg12[%parallel_loop3A_149] {strides = array<i32>} : memref<512xf32, #tpu.memory_space<vmem>>, vector<16xf32>,
      %parallel_loop3A_151 = arith.constant 4 : i32
      %parallel_loop3A_152 = vector.broadcast %parallel_loop3A_151 : i32 to vector<16xi32>
      %parallel_loop3A_153 = arith.muli %parallel_loop3A_148, %parallel_loop3A_152 : vector<16xi32>
      %parallel_loop3A_154 = arith.constant 0 : i32
      %parallel_loop3A_155 = vector.broadcast %parallel_loop3A_154 : i32 to vector<16xi32>
      %parallel_loop3A_156 = arith.addi %parallel_loop3A_153, %parallel_loop3A_155 : vector<16xi32>
      %parallel_loop3A_157 = tpu.vector_load_idx %arg9[%parallel_loop3A_156] : memref<4000xf32, #tpu.memory_space<vmem>>[vector<16xi32>], vector<16xf32>,
      %parallel_loop3A_158 = arith.constant 1 : i32
      %parallel_loop3A_159 = vector.broadcast %parallel_loop3A_158 : i32 to vector<16xi32>
      %parallel_loop3A_160 = arith.addi %parallel_loop3A_153, %parallel_loop3A_159 : vector<16xi32>
      %parallel_loop3A_161 = tpu.vector_load_idx %arg9[%parallel_loop3A_160] : memref<4000xf32, #tpu.memory_space<vmem>>[vector<16xi32>], vector<16xf32>,
      %parallel_loop3A_162 = arith.constant 2 : i32
      %parallel_loop3A_163 = vector.broadcast %parallel_loop3A_162 : i32 to vector<16xi32>
      %parallel_loop3A_164 = arith.addi %parallel_loop3A_153, %parallel_loop3A_163 : vector<16xi32>
      %parallel_loop3A_165 = tpu.vector_load_idx %arg9[%parallel_loop3A_164] : memref<4000xf32, #tpu.memory_space<vmem>>[vector<16xi32>], vector<16xf32>,
      %parallel_loop3A_166 = arith.constant 3 : i32
      %parallel_loop3A_167 = vector.broadcast %parallel_loop3A_166 : i32 to vector<16xi32>
      %parallel_loop3A_168 = arith.addi %parallel_loop3A_153, %parallel_loop3A_167 : vector<16xi32>
      %parallel_loop3A_169 = tpu.vector_load_idx %arg9[%parallel_loop3A_168] : memref<4000xf32, #tpu.memory_space<vmem>>[vector<16xi32>], vector<16xf32>,
      %parallel_loop3A_170 = arith.constant 0 : i32
      %parallel_loop3A_171 = vector.broadcast %parallel_loop3A_170 : i32 to vector<16xi32>
      %parallel_loop3A_172 = arith.cmpi eq, %parallel_loop3A_146, %parallel_loop3A_171 : vector<16xi32>
      %parallel_loop3A_173 = arith.constant 1 : i32
      %parallel_loop3A_174 = vector.broadcast %parallel_loop3A_173 : i32 to vector<16xi32>
      %parallel_loop3A_175 = arith.cmpi eq, %parallel_loop3A_146, %parallel_loop3A_174 : vector<16xi32>
      %parallel_loop3A_176 = arith.constant 2 : i32
      %parallel_loop3A_177 = vector.broadcast %parallel_loop3A_176 : i32 to vector<16xi32>
      %parallel_loop3A_178 = arith.cmpi eq, %parallel_loop3A_146, %parallel_loop3A_177 : vector<16xi32>
      %parallel_loop3A_179 = arith.mulf %parallel_loop3A_157, %get3A_10 : vector<16xf32>
      %parallel_loop3A_180 = arith.mulf %parallel_loop3A_161, %get3A_14 : vector<16xf32>
      %parallel_loop3A_181 = arith.mulf %parallel_loop3A_165, %get3A_18 : vector<16xf32>
      %parallel_loop3A_182 = arith.mulf %parallel_loop3A_169, %get3A_22 : vector<16xf32>
      %parallel_loop3A_183 = arith.addf %parallel_loop3A_179, %parallel_loop3A_180 : vector<16xf32>
      %parallel_loop3A_184 = arith.addf %parallel_loop3A_181, %parallel_loop3A_182 : vector<16xf32>
      %parallel_loop3A_185 = arith.addf %parallel_loop3A_183, %parallel_loop3A_184 : vector<16xf32>
      %parallel_loop3A_186 = arith.select %parallel_loop3A_178, %parallel_loop3A_181, %parallel_loop3A_182 : vector<16xi1>, vector<16xf32>
      %parallel_loop3A_187 = arith.select %parallel_loop3A_175, %parallel_loop3A_180, %parallel_loop3A_186 : vector<16xi1>, vector<16xf32>
      %parallel_loop3A_188 = arith.select %parallel_loop3A_172, %parallel_loop3A_179, %parallel_loop3A_187 : vector<16xi1>, vector<16xf32>
      %parallel_loop3A_189 = arith.divf %parallel_loop3A_188, %parallel_loop3A_185 : vector<16xf32>
      %parallel_loop3A_190 = tpu.bitcast %parallel_loop3A_189 : vector<16xf32> -> vector<16xi32>
      %parallel_loop3A_191 = arith.constant 23 : i32
      %parallel_loop3A_192 = vector.broadcast %parallel_loop3A_191 : i32 to vector<16xi32>
      %parallel_loop3A_193 = arith.shrsi %parallel_loop3A_190, %parallel_loop3A_192 : vector<16xi32>
      %parallel_loop3A_194 = arith.sitofp %parallel_loop3A_193 : vector<16xi32> to vector<16xf32>
      %parallel_loop3A_195 = arith.constant 8388607 : i32
      %parallel_loop3A_196 = vector.broadcast %parallel_loop3A_195 : i32 to vector<16xi32>
      %parallel_loop3A_197 = arith.andi %parallel_loop3A_190, %parallel_loop3A_196 : vector<16xi32>
      %parallel_loop3A_198 = arith.constant 1065353216 : i32
      %parallel_loop3A_199 = vector.broadcast %parallel_loop3A_198 : i32 to vector<16xi32>
      %parallel_loop3A_200 = arith.ori %parallel_loop3A_197, %parallel_loop3A_199 : vector<16xi32>
      %parallel_loop3A_201 = tpu.bitcast %parallel_loop3A_200 : vector<16xi32> -> vector<16xf32>
      %parallel_loop3A_202 = arith.constant 0.109671161 : f32
      %parallel_loop3A_203 = vector.broadcast %parallel_loop3A_202 : f32 to vector<16xf32>
      %parallel_loop3A_204 = arith.mulf %parallel_loop3A_203, %parallel_loop3A_201 : vector<16xf32>
      %parallel_loop3A_205 = arith.constant -0.728987336 : f32
      %parallel_loop3A_206 = vector.broadcast %parallel_loop3A_205 : f32 to vector<16xf32>
      %parallel_loop3A_207 = arith.addf %parallel_loop3A_204, %parallel_loop3A_206 : vector<16xf32>
      %parallel_loop3A_208 = arith.mulf %parallel_loop3A_207, %parallel_loop3A_201 : vector<16xf32>
      %parallel_loop3A_209 = arith.constant 2.11241078 : f32
      %parallel_loop3A_210 = vector.broadcast %parallel_loop3A_209 : f32 to vector<16xf32>
      %parallel_loop3A_211 = arith.addf %parallel_loop3A_208, %parallel_loop3A_210 : vector<16xf32>
      %parallel_loop3A_212 = arith.mulf %parallel_loop3A_211, %parallel_loop3A_201 : vector<16xf32>
      %parallel_loop3A_213 = arith.constant -89.5223388 : f32
      %parallel_loop3A_214 = vector.broadcast %parallel_loop3A_213 : f32 to vector<16xf32>
      %parallel_loop3A_215 = arith.addf %parallel_loop3A_212, %parallel_loop3A_214 : vector<16xf32>
      %parallel_loop3A_216 = arith.constant 0.693147182 : f32
      %parallel_loop3A_217 = vector.broadcast %parallel_loop3A_216 : f32 to vector<16xf32>
      %parallel_loop3A_218 = arith.mulf %parallel_loop3A_194, %parallel_loop3A_217 : vector<16xf32>
      %parallel_loop3A_219 = arith.addf %parallel_loop3A_218, %parallel_loop3A_215 : vector<16xf32>
      %parallel_loop3A_220 = arith.constant -23.0258503 : f32
      %parallel_loop3A_221 = vector.broadcast %parallel_loop3A_220 : f32 to vector<16xf32>
      %parallel_loop3A_222 = arith.maximumf %parallel_loop3A_219, %parallel_loop3A_221 : vector<16xf32>
      %parallel_loop3A_223 = arith.mulf %parallel_loop3A_150, %parallel_loop3A_222 : vector<16xf32>
      %parallel_loop3A_224 = arith.constant 0 : i32
      %parallel_loop3A_225 = arith.index_cast %parallel_loop3A_224 : i32 to index
      %parallel_loop3A_226 = arith.index_cast %parallel_loop3A_144 : i32 to index
      %parallel_loop3A_227 = tpu.vector_load %arg13[%parallel_loop3A_225, %parallel_loop3A_226] {strides = array<i32>} : memref<8x512xf32, #tpu.memory_space<vmem>>, vector<16xf32>,
      tpu.vector_store %arg13[%parallel_loop3A_225, %parallel_loop3A_226], %parallel_loop3A_223 {strides = array<i32>} : memref<8x512xf32, #tpu.memory_space<vmem>>, vector<16xf32>,
      %parallel_loop3A_228 = arith.mulf %parallel_loop3A_157, %get3A_26 : vector<16xf32>
      %parallel_loop3A_229 = arith.mulf %parallel_loop3A_161, %get3A_30 : vector<16xf32>
      %parallel_loop3A_230 = arith.mulf %parallel_loop3A_165, %get3A_34 : vector<16xf32>
      %parallel_loop3A_231 = arith.mulf %parallel_loop3A_169, %get3A_38 : vector<16xf32>
      %parallel_loop3A_232 = arith.addf %parallel_loop3A_228, %parallel_loop3A_229 : vector<16xf32>
      %parallel_loop3A_233 = arith.addf %parallel_loop3A_230, %parallel_loop3A_231 : vector<16xf32>
      %parallel_loop3A_234 = arith.addf %parallel_loop3A_232, %parallel_loop3A_233 : vector<16xf32>
      %parallel_loop3A_235 = arith.select %parallel_loop3A_178, %parallel_loop3A_230, %parallel_loop3A_231 : vector<16xi1>, vector<16xf32>
      %parallel_loop3A_236 = arith.select %parallel_loop3A_175, %parallel_loop3A_229, %parallel_loop3A_235 : vector<16xi1>, vector<16xf32>
      %parallel_loop3A_237 = arith.select %parallel_loop3A_172, %parallel_loop3A_228, %parallel_loop3A_236 : vector<16xi1>, vector<16xf32>
      %parallel_loop3A_238 = arith.divf %parallel_loop3A_237, %parallel_loop3A_234 : vector<16xf32>
      %parallel_loop3A_239 = tpu.bitcast %parallel_loop3A_238 : vector<16xf32> -> vector<16xi32>
      %parallel_loop3A_240 = arith.constant 23 : i32
      %parallel_loop3A_241 = vector.broadcast %parallel_loop3A_240 : i32 to vector<16xi32>
      %parallel_loop3A_242 = arith.shrsi %parallel_loop3A_239, %parallel_loop3A_241 : vector<16xi32>
      %parallel_loop3A_243 = arith.sitofp %parallel_loop3A_242 : vector<16xi32> to vector<16xf32>
      %parallel_loop3A_244 = arith.constant 8388607 : i32
      %parallel_loop3A_245 = vector.broadcast %parallel_loop3A_244 : i32 to vector<16xi32>
      %parallel_loop3A_246 = arith.andi %parallel_loop3A_239, %parallel_loop3A_245 : vector<16xi32>
      %parallel_loop3A_247 = arith.constant 1065353216 : i32
      %parallel_loop3A_248 = vector.broadcast %parallel_loop3A_247 : i32 to vector<16xi32>
      %parallel_loop3A_249 = arith.ori %parallel_loop3A_246, %parallel_loop3A_248 : vector<16xi32>
      %parallel_loop3A_250 = tpu.bitcast %parallel_loop3A_249 : vector<16xi32> -> vector<16xf32>
      %parallel_loop3A_251 = arith.constant 0.109671161 : f32
      %parallel_loop3A_252 = vector.broadcast %parallel_loop3A_251 : f32 to vector<16xf32>
      %parallel_loop3A_253 = arith.mulf %parallel_loop3A_252, %parallel_loop3A_250 : vector<16xf32>
      %parallel_loop3A_254 = arith.constant -0.728987336 : f32
      %parallel_loop3A_255 = vector.broadcast %parallel_loop3A_254 : f32 to vector<16xf32>
      %parallel_loop3A_256 = arith.addf %parallel_loop3A_253, %parallel_loop3A_255 : vector<16xf32>
      %parallel_loop3A_257 = arith.mulf %parallel_loop3A_256, %parallel_loop3A_250 : vector<16xf32>
      %parallel_loop3A_258 = arith.constant 2.11241078 : f32
      %parallel_loop3A_259 = vector.broadcast %parallel_loop3A_258 : f32 to vector<16xf32>
      %parallel_loop3A_260 = arith.addf %parallel_loop3A_257, %parallel_loop3A_259 : vector<16xf32>
      %parallel_loop3A_261 = arith.mulf %parallel_loop3A_260, %parallel_loop3A_250 : vector<16xf32>
      %parallel_loop3A_262 = arith.constant -89.5223388 : f32
      %parallel_loop3A_263 = vector.broadcast %parallel_loop3A_262 : f32 to vector<16xf32>
      %parallel_loop3A_264 = arith.addf %parallel_loop3A_261, %parallel_loop3A_263 : vector<16xf32>
      %parallel_loop3A_265 = arith.constant 0.693147182 : f32
      %parallel_loop3A_266 = vector.broadcast %parallel_loop3A_265 : f32 to vector<16xf32>
      %parallel_loop3A_267 = arith.mulf %parallel_loop3A_243, %parallel_loop3A_266 : vector<16xf32>
      %parallel_loop3A_268 = arith.addf %parallel_loop3A_267, %parallel_loop3A_264 : vector<16xf32>
      %parallel_loop3A_269 = arith.constant -23.0258503 : f32
      %parallel_loop3A_270 = vector.broadcast %parallel_loop3A_269 : f32 to vector<16xf32>
      %parallel_loop3A_271 = arith.maximumf %parallel_loop3A_268, %parallel_loop3A_270 : vector<16xf32>
      %parallel_loop3A_272 = arith.mulf %parallel_loop3A_150, %parallel_loop3A_271 : vector<16xf32>
      %parallel_loop3A_273 = arith.constant 1 : i32
      %parallel_loop3A_274 = arith.index_cast %parallel_loop3A_273 : i32 to index
      %parallel_loop3A_275 = arith.index_cast %parallel_loop3A_144 : i32 to index
      %parallel_loop3A_276 = tpu.vector_load %arg13[%parallel_loop3A_274, %parallel_loop3A_275] {strides = array<i32>} : memref<8x512xf32, #tpu.memory_space<vmem>>, vector<16xf32>,
      tpu.vector_store %arg13[%parallel_loop3A_274, %parallel_loop3A_275], %parallel_loop3A_272 {strides = array<i32>} : memref<8x512xf32, #tpu.memory_space<vmem>>, vector<16xf32>,
      %parallel_loop3A_277 = arith.mulf %parallel_loop3A_157, %get3A_42 : vector<16xf32>
      %parallel_loop3A_278 = arith.mulf %parallel_loop3A_161, %get3A_46 : vector<16xf32>
      %parallel_loop3A_279 = arith.mulf %parallel_loop3A_165, %get3A_50 : vector<16xf32>
      %parallel_loop3A_280 = arith.mulf %parallel_loop3A_169, %get3A_54 : vector<16xf32>
      %parallel_loop3A_281 = arith.addf %parallel_loop3A_277, %parallel_loop3A_278 : vector<16xf32>
      %parallel_loop3A_282 = arith.addf %parallel_loop3A_279, %parallel_loop3A_280 : vector<16xf32>
      %parallel_loop3A_283 = arith.addf %parallel_loop3A_281, %parallel_loop3A_282 : vector<16xf32>
      %parallel_loop3A_284 = arith.select %parallel_loop3A_178, %parallel_loop3A_279, %parallel_loop3A_280 : vector<16xi1>, vector<16xf32>
      %parallel_loop3A_285 = arith.select %parallel_loop3A_175, %parallel_loop3A_278, %parallel_loop3A_284 : vector<16xi1>, vector<16xf32>
      %parallel_loop3A_286 = arith.select %parallel_loop3A_172, %parallel_loop3A_277, %parallel_loop3A_285 : vector<16xi1>, vector<16xf32>
      %parallel_loop3A_287 = arith.divf %parallel_loop3A_286, %parallel_loop3A_283 : vector<16xf32>
      %parallel_loop3A_288 = tpu.bitcast %parallel_loop3A_287 : vector<16xf32> -> vector<16xi32>
      %parallel_loop3A_289 = arith.constant 23 : i32
      %parallel_loop3A_290 = vector.broadcast %parallel_loop3A_289 : i32 to vector<16xi32>
      %parallel_loop3A_291 = arith.shrsi %parallel_loop3A_288, %parallel_loop3A_290 : vector<16xi32>
      %parallel_loop3A_292 = arith.sitofp %parallel_loop3A_291 : vector<16xi32> to vector<16xf32>
      %parallel_loop3A_293 = arith.constant 8388607 : i32
      %parallel_loop3A_294 = vector.broadcast %parallel_loop3A_293 : i32 to vector<16xi32>
      %parallel_loop3A_295 = arith.andi %parallel_loop3A_288, %parallel_loop3A_294 : vector<16xi32>
      %parallel_loop3A_296 = arith.constant 1065353216 : i32
      %parallel_loop3A_297 = vector.broadcast %parallel_loop3A_296 : i32 to vector<16xi32>
      %parallel_loop3A_298 = arith.ori %parallel_loop3A_295, %parallel_loop3A_297 : vector<16xi32>
      %parallel_loop3A_299 = tpu.bitcast %parallel_loop3A_298 : vector<16xi32> -> vector<16xf32>
      %parallel_loop3A_300 = arith.constant 0.109671161 : f32
      %parallel_loop3A_301 = vector.broadcast %parallel_loop3A_300 : f32 to vector<16xf32>
      %parallel_loop3A_302 = arith.mulf %parallel_loop3A_301, %parallel_loop3A_299 : vector<16xf32>
      %parallel_loop3A_303 = arith.constant -0.728987336 : f32
      %parallel_loop3A_304 = vector.broadcast %parallel_loop3A_303 : f32 to vector<16xf32>
      %parallel_loop3A_305 = arith.addf %parallel_loop3A_302, %parallel_loop3A_304 : vector<16xf32>
      %parallel_loop3A_306 = arith.mulf %parallel_loop3A_305, %parallel_loop3A_299 : vector<16xf32>
      %parallel_loop3A_307 = arith.constant 2.11241078 : f32
      %parallel_loop3A_308 = vector.broadcast %parallel_loop3A_307 : f32 to vector<16xf32>
      %parallel_loop3A_309 = arith.addf %parallel_loop3A_306, %parallel_loop3A_308 : vector<16xf32>
      %parallel_loop3A_310 = arith.mulf %parallel_loop3A_309, %parallel_loop3A_299 : vector<16xf32>
      %parallel_loop3A_311 = arith.constant -89.5223388 : f32
      %parallel_loop3A_312 = vector.broadcast %parallel_loop3A_311 : f32 to vector<16xf32>
      %parallel_loop3A_313 = arith.addf %parallel_loop3A_310, %parallel_loop3A_312 : vector<16xf32>
      %parallel_loop3A_314 = arith.constant 0.693147182 : f32
      %parallel_loop3A_315 = vector.broadcast %parallel_loop3A_314 : f32 to vector<16xf32>
      %parallel_loop3A_316 = arith.mulf %parallel_loop3A_292, %parallel_loop3A_315 : vector<16xf32>
      %parallel_loop3A_317 = arith.addf %parallel_loop3A_316, %parallel_loop3A_313 : vector<16xf32>
      %parallel_loop3A_318 = arith.constant -23.0258503 : f32
      %parallel_loop3A_319 = vector.broadcast %parallel_loop3A_318 : f32 to vector<16xf32>
      %parallel_loop3A_320 = arith.maximumf %parallel_loop3A_317, %parallel_loop3A_319 : vector<16xf32>
      %parallel_loop3A_321 = arith.mulf %parallel_loop3A_150, %parallel_loop3A_320 : vector<16xf32>
      %parallel_loop3A_322 = arith.constant 2 : i32
      %parallel_loop3A_323 = arith.index_cast %parallel_loop3A_322 : i32 to index
      %parallel_loop3A_324 = arith.index_cast %parallel_loop3A_144 : i32 to index
      %parallel_loop3A_325 = tpu.vector_load %arg13[%parallel_loop3A_323, %parallel_loop3A_324] {strides = array<i32>} : memref<8x512xf32, #tpu.memory_space<vmem>>, vector<16xf32>,
      tpu.vector_store %arg13[%parallel_loop3A_323, %parallel_loop3A_324], %parallel_loop3A_321 {strides = array<i32>} : memref<8x512xf32, #tpu.memory_space<vmem>>, vector<16xf32>,
      %parallel_loop3A_326 = arith.mulf %parallel_loop3A_157, %get3A_58 : vector<16xf32>
      %parallel_loop3A_327 = arith.mulf %parallel_loop3A_161, %get3A_62 : vector<16xf32>
      %parallel_loop3A_328 = arith.mulf %parallel_loop3A_165, %get3A_66 : vector<16xf32>
      %parallel_loop3A_329 = arith.mulf %parallel_loop3A_169, %get3A_70 : vector<16xf32>
      %parallel_loop3A_330 = arith.addf %parallel_loop3A_326, %parallel_loop3A_327 : vector<16xf32>
      %parallel_loop3A_331 = arith.addf %parallel_loop3A_328, %parallel_loop3A_329 : vector<16xf32>
      %parallel_loop3A_332 = arith.addf %parallel_loop3A_330, %parallel_loop3A_331 : vector<16xf32>
      %parallel_loop3A_333 = arith.select %parallel_loop3A_178, %parallel_loop3A_328, %parallel_loop3A_329 : vector<16xi1>, vector<16xf32>
      %parallel_loop3A_334 = arith.select %parallel_loop3A_175, %parallel_loop3A_327, %parallel_loop3A_333 : vector<16xi1>, vector<16xf32>
      %parallel_loop3A_335 = arith.select %parallel_loop3A_172, %parallel_loop3A_326, %parallel_loop3A_334 : vector<16xi1>, vector<16xf32>
      %parallel_loop3A_336 = arith.divf %parallel_loop3A_335, %parallel_loop3A_332 : vector<16xf32>
      %parallel_loop3A_337 = tpu.bitcast %parallel_loop3A_336 : vector<16xf32> -> vector<16xi32>
      %parallel_loop3A_338 = arith.constant 23 : i32
      %parallel_loop3A_339 = vector.broadcast %parallel_loop3A_338 : i32 to vector<16xi32>
      %parallel_loop3A_340 = arith.shrsi %parallel_loop3A_337, %parallel_loop3A_339 : vector<16xi32>
      %parallel_loop3A_341 = arith.sitofp %parallel_loop3A_340 : vector<16xi32> to vector<16xf32>
      %parallel_loop3A_342 = arith.constant 8388607 : i32
      %parallel_loop3A_343 = vector.broadcast %parallel_loop3A_342 : i32 to vector<16xi32>
      %parallel_loop3A_344 = arith.andi %parallel_loop3A_337, %parallel_loop3A_343 : vector<16xi32>
      %parallel_loop3A_345 = arith.constant 1065353216 : i32
      %parallel_loop3A_346 = vector.broadcast %parallel_loop3A_345 : i32 to vector<16xi32>
      %parallel_loop3A_347 = arith.ori %parallel_loop3A_344, %parallel_loop3A_346 : vector<16xi32>
      %parallel_loop3A_348 = tpu.bitcast %parallel_loop3A_347 : vector<16xi32> -> vector<16xf32>
      %parallel_loop3A_349 = arith.constant 0.109671161 : f32
      %parallel_loop3A_350 = vector.broadcast %parallel_loop3A_349 : f32 to vector<16xf32>
      %parallel_loop3A_351 = arith.mulf %parallel_loop3A_350, %parallel_loop3A_348 : vector<16xf32>
      %parallel_loop3A_352 = arith.constant -0.728987336 : f32
      %parallel_loop3A_353 = vector.broadcast %parallel_loop3A_352 : f32 to vector<16xf32>
      %parallel_loop3A_354 = arith.addf %parallel_loop3A_351, %parallel_loop3A_353 : vector<16xf32>
      %parallel_loop3A_355 = arith.mulf %parallel_loop3A_354, %parallel_loop3A_348 : vector<16xf32>
      %parallel_loop3A_356 = arith.constant 2.11241078 : f32
      %parallel_loop3A_357 = vector.broadcast %parallel_loop3A_356 : f32 to vector<16xf32>
      %parallel_loop3A_358 = arith.addf %parallel_loop3A_355, %parallel_loop3A_357 : vector<16xf32>
      %parallel_loop3A_359 = arith.mulf %parallel_loop3A_358, %parallel_loop3A_348 : vector<16xf32>
      %parallel_loop3A_360 = arith.constant -89.5223388 : f32
      %parallel_loop3A_361 = vector.broadcast %parallel_loop3A_360 : f32 to vector<16xf32>
      %parallel_loop3A_362 = arith.addf %parallel_loop3A_359, %parallel_loop3A_361 : vector<16xf32>
      %parallel_loop3A_363 = arith.constant 0.693147182 : f32
      %parallel_loop3A_364 = vector.broadcast %parallel_loop3A_363 : f32 to vector<16xf32>
      %parallel_loop3A_365 = arith.mulf %parallel_loop3A_341, %parallel_loop3A_364 : vector<16xf32>
      %parallel_loop3A_366 = arith.addf %parallel_loop3A_365, %parallel_loop3A_362 : vector<16xf32>
      %parallel_loop3A_367 = arith.constant -23.0258503 : f32
      %parallel_loop3A_368 = vector.broadcast %parallel_loop3A_367 : f32 to vector<16xf32>
      %parallel_loop3A_369 = arith.maximumf %parallel_loop3A_366, %parallel_loop3A_368 : vector<16xf32>
      %parallel_loop3A_370 = arith.mulf %parallel_loop3A_150, %parallel_loop3A_369 : vector<16xf32>
      %parallel_loop3A_371 = arith.constant 3 : i32
      %parallel_loop3A_372 = arith.index_cast %parallel_loop3A_371 : i32 to index
      %parallel_loop3A_373 = arith.index_cast %parallel_loop3A_144 : i32 to index
      %parallel_loop3A_374 = tpu.vector_load %arg13[%parallel_loop3A_372, %parallel_loop3A_373] {strides = array<i32>} : memref<8x512xf32, #tpu.memory_space<vmem>>, vector<16xf32>,
      tpu.vector_store %arg13[%parallel_loop3A_372, %parallel_loop3A_373], %parallel_loop3A_370 {strides = array<i32>} : memref<8x512xf32, #tpu.memory_space<vmem>>, vector<16xf32>,
      %parallel_loop3A_375 = arith.mulf %parallel_loop3A_157, %get3A_74 : vector<16xf32>
      %parallel_loop3A_376 = arith.mulf %parallel_loop3A_161, %get3A_78 : vector<16xf32>
      %parallel_loop3A_377 = arith.mulf %parallel_loop3A_165, %get3A_82 : vector<16xf32>
      %parallel_loop3A_378 = arith.mulf %parallel_loop3A_169, %get3A_86 : vector<16xf32>
      %parallel_loop3A_379 = arith.addf %parallel_loop3A_375, %parallel_loop3A_376 : vector<16xf32>
      %parallel_loop3A_380 = arith.addf %parallel_loop3A_377, %parallel_loop3A_378 : vector<16xf32>
      %parallel_loop3A_381 = arith.addf %parallel_loop3A_379, %parallel_loop3A_380 : vector<16xf32>
      %parallel_loop3A_382 = arith.select %parallel_loop3A_178, %parallel_loop3A_377, %parallel_loop3A_378 : vector<16xi1>, vector<16xf32>
      %parallel_loop3A_383 = arith.select %parallel_loop3A_175, %parallel_loop3A_376, %parallel_loop3A_382 : vector<16xi1>, vector<16xf32>
      %parallel_loop3A_384 = arith.select %parallel_loop3A_172, %parallel_loop3A_375, %parallel_loop3A_383 : vector<16xi1>, vector<16xf32>
      %parallel_loop3A_385 = arith.divf %parallel_loop3A_384, %parallel_loop3A_381 : vector<16xf32>
      %parallel_loop3A_386 = tpu.bitcast %parallel_loop3A_385 : vector<16xf32> -> vector<16xi32>
      %parallel_loop3A_387 = arith.constant 23 : i32
      %parallel_loop3A_388 = vector.broadcast %parallel_loop3A_387 : i32 to vector<16xi32>
      %parallel_loop3A_389 = arith.shrsi %parallel_loop3A_386, %parallel_loop3A_388 : vector<16xi32>
      %parallel_loop3A_390 = arith.sitofp %parallel_loop3A_389 : vector<16xi32> to vector<16xf32>
      %parallel_loop3A_391 = arith.constant 8388607 : i32
      %parallel_loop3A_392 = vector.broadcast %parallel_loop3A_391 : i32 to vector<16xi32>
      %parallel_loop3A_393 = arith.andi %parallel_loop3A_386, %parallel_loop3A_392 : vector<16xi32>
      %parallel_loop3A_394 = arith.constant 1065353216 : i32
      %parallel_loop3A_395 = vector.broadcast %parallel_loop3A_394 : i32 to vector<16xi32>
      %parallel_loop3A_396 = arith.ori %parallel_loop3A_393, %parallel_loop3A_395 : vector<16xi32>
      %parallel_loop3A_397 = tpu.bitcast %parallel_loop3A_396 : vector<16xi32> -> vector<16xf32>
      %parallel_loop3A_398 = arith.constant 0.109671161 : f32
      %parallel_loop3A_399 = vector.broadcast %parallel_loop3A_398 : f32 to vector<16xf32>
      %parallel_loop3A_400 = arith.mulf %parallel_loop3A_399, %parallel_loop3A_397 : vector<16xf32>
      %parallel_loop3A_401 = arith.constant -0.728987336 : f32
      %parallel_loop3A_402 = vector.broadcast %parallel_loop3A_401 : f32 to vector<16xf32>
      %parallel_loop3A_403 = arith.addf %parallel_loop3A_400, %parallel_loop3A_402 : vector<16xf32>
      %parallel_loop3A_404 = arith.mulf %parallel_loop3A_403, %parallel_loop3A_397 : vector<16xf32>
      %parallel_loop3A_405 = arith.constant 2.11241078 : f32
      %parallel_loop3A_406 = vector.broadcast %parallel_loop3A_405 : f32 to vector<16xf32>
      %parallel_loop3A_407 = arith.addf %parallel_loop3A_404, %parallel_loop3A_406 : vector<16xf32>
      %parallel_loop3A_408 = arith.mulf %parallel_loop3A_407, %parallel_loop3A_397 : vector<16xf32>
      %parallel_loop3A_409 = arith.constant -89.5223388 : f32
      %parallel_loop3A_410 = vector.broadcast %parallel_loop3A_409 : f32 to vector<16xf32>
      %parallel_loop3A_411 = arith.addf %parallel_loop3A_408, %parallel_loop3A_410 : vector<16xf32>
      %parallel_loop3A_412 = arith.constant 0.693147182 : f32
      %parallel_loop3A_413 = vector.broadcast %parallel_loop3A_412 : f32 to vector<16xf32>
      %parallel_loop3A_414 = arith.mulf %parallel_loop3A_390, %parallel_loop3A_413 : vector<16xf32>
      %parallel_loop3A_415 = arith.addf %parallel_loop3A_414, %parallel_loop3A_411 : vector<16xf32>
      %parallel_loop3A_416 = arith.constant -23.0258503 : f32
      %parallel_loop3A_417 = vector.broadcast %parallel_loop3A_416 : f32 to vector<16xf32>
      %parallel_loop3A_418 = arith.maximumf %parallel_loop3A_415, %parallel_loop3A_417 : vector<16xf32>
      %parallel_loop3A_419 = arith.mulf %parallel_loop3A_150, %parallel_loop3A_418 : vector<16xf32>
      %parallel_loop3A_420 = arith.constant 4 : i32
      %parallel_loop3A_421 = arith.index_cast %parallel_loop3A_420 : i32 to index
      %parallel_loop3A_422 = arith.index_cast %parallel_loop3A_144 : i32 to index
      %parallel_loop3A_423 = tpu.vector_load %arg13[%parallel_loop3A_421, %parallel_loop3A_422] {strides = array<i32>} : memref<8x512xf32, #tpu.memory_space<vmem>>, vector<16xf32>,
      tpu.vector_store %arg13[%parallel_loop3A_421, %parallel_loop3A_422], %parallel_loop3A_419 {strides = array<i32>} : memref<8x512xf32, #tpu.memory_space<vmem>>, vector<16xf32>,
      %parallel_loop3A_424 = arith.mulf %parallel_loop3A_157, %get3A_90 : vector<16xf32>
      %parallel_loop3A_425 = arith.mulf %parallel_loop3A_161, %get3A_94 : vector<16xf32>
      %parallel_loop3A_426 = arith.mulf %parallel_loop3A_165, %get3A_98 : vector<16xf32>
      %parallel_loop3A_427 = arith.mulf %parallel_loop3A_169, %get3A_102 : vector<16xf32>
      %parallel_loop3A_428 = arith.addf %parallel_loop3A_424, %parallel_loop3A_425 : vector<16xf32>
      %parallel_loop3A_429 = arith.addf %parallel_loop3A_426, %parallel_loop3A_427 : vector<16xf32>
      %parallel_loop3A_430 = arith.addf %parallel_loop3A_428, %parallel_loop3A_429 : vector<16xf32>
      %parallel_loop3A_431 = arith.select %parallel_loop3A_178, %parallel_loop3A_426, %parallel_loop3A_427 : vector<16xi1>, vector<16xf32>
      %parallel_loop3A_432 = arith.select %parallel_loop3A_175, %parallel_loop3A_425, %parallel_loop3A_431 : vector<16xi1>, vector<16xf32>
      %parallel_loop3A_433 = arith.select %parallel_loop3A_172, %parallel_loop3A_424, %parallel_loop3A_432 : vector<16xi1>, vector<16xf32>
      %parallel_loop3A_434 = arith.divf %parallel_loop3A_433, %parallel_loop3A_430 : vector<16xf32>
      %parallel_loop3A_435 = tpu.bitcast %parallel_loop3A_434 : vector<16xf32> -> vector<16xi32>
      %parallel_loop3A_436 = arith.constant 23 : i32
      %parallel_loop3A_437 = vector.broadcast %parallel_loop3A_436 : i32 to vector<16xi32>
      %parallel_loop3A_438 = arith.shrsi %parallel_loop3A_435, %parallel_loop3A_437 : vector<16xi32>
      %parallel_loop3A_439 = arith.sitofp %parallel_loop3A_438 : vector<16xi32> to vector<16xf32>
      %parallel_loop3A_440 = arith.constant 8388607 : i32
      %parallel_loop3A_441 = vector.broadcast %parallel_loop3A_440 : i32 to vector<16xi32>
      %parallel_loop3A_442 = arith.andi %parallel_loop3A_435, %parallel_loop3A_441 : vector<16xi32>
      %parallel_loop3A_443 = arith.constant 1065353216 : i32
      %parallel_loop3A_444 = vector.broadcast %parallel_loop3A_443 : i32 to vector<16xi32>
      %parallel_loop3A_445 = arith.ori %parallel_loop3A_442, %parallel_loop3A_444 : vector<16xi32>
      %parallel_loop3A_446 = tpu.bitcast %parallel_loop3A_445 : vector<16xi32> -> vector<16xf32>
      %parallel_loop3A_447 = arith.constant 0.109671161 : f32
      %parallel_loop3A_448 = vector.broadcast %parallel_loop3A_447 : f32 to vector<16xf32>
      %parallel_loop3A_449 = arith.mulf %parallel_loop3A_448, %parallel_loop3A_446 : vector<16xf32>
      %parallel_loop3A_450 = arith.constant -0.728987336 : f32
      %parallel_loop3A_451 = vector.broadcast %parallel_loop3A_450 : f32 to vector<16xf32>
      %parallel_loop3A_452 = arith.addf %parallel_loop3A_449, %parallel_loop3A_451 : vector<16xf32>
      %parallel_loop3A_453 = arith.mulf %parallel_loop3A_452, %parallel_loop3A_446 : vector<16xf32>
      %parallel_loop3A_454 = arith.constant 2.11241078 : f32
      %parallel_loop3A_455 = vector.broadcast %parallel_loop3A_454 : f32 to vector<16xf32>
      %parallel_loop3A_456 = arith.addf %parallel_loop3A_453, %parallel_loop3A_455 : vector<16xf32>
      %parallel_loop3A_457 = arith.mulf %parallel_loop3A_456, %parallel_loop3A_446 : vector<16xf32>
      %parallel_loop3A_458 = arith.constant -89.5223388 : f32
      %parallel_loop3A_459 = vector.broadcast %parallel_loop3A_458 : f32 to vector<16xf32>
      %parallel_loop3A_460 = arith.addf %parallel_loop3A_457, %parallel_loop3A_459 : vector<16xf32>
      %parallel_loop3A_461 = arith.constant 0.693147182 : f32
      %parallel_loop3A_462 = vector.broadcast %parallel_loop3A_461 : f32 to vector<16xf32>
      %parallel_loop3A_463 = arith.mulf %parallel_loop3A_439, %parallel_loop3A_462 : vector<16xf32>
      %parallel_loop3A_464 = arith.addf %parallel_loop3A_463, %parallel_loop3A_460 : vector<16xf32>
      %parallel_loop3A_465 = arith.constant -23.0258503 : f32
      %parallel_loop3A_466 = vector.broadcast %parallel_loop3A_465 : f32 to vector<16xf32>
      %parallel_loop3A_467 = arith.maximumf %parallel_loop3A_464, %parallel_loop3A_466 : vector<16xf32>
      %parallel_loop3A_468 = arith.mulf %parallel_loop3A_150, %parallel_loop3A_467 : vector<16xf32>
      %parallel_loop3A_469 = arith.constant 5 : i32
      %parallel_loop3A_470 = arith.index_cast %parallel_loop3A_469 : i32 to index
      %parallel_loop3A_471 = arith.index_cast %parallel_loop3A_144 : i32 to index
      %parallel_loop3A_472 = tpu.vector_load %arg13[%parallel_loop3A_470, %parallel_loop3A_471] {strides = array<i32>} : memref<8x512xf32, #tpu.memory_space<vmem>>, vector<16xf32>,
      tpu.vector_store %arg13[%parallel_loop3A_470, %parallel_loop3A_471], %parallel_loop3A_468 {strides = array<i32>} : memref<8x512xf32, #tpu.memory_space<vmem>>, vector<16xf32>,
      %parallel_loop3A_473 = arith.mulf %parallel_loop3A_157, %get3A_106 : vector<16xf32>
      %parallel_loop3A_474 = arith.mulf %parallel_loop3A_161, %get3A_110 : vector<16xf32>
      %parallel_loop3A_475 = arith.mulf %parallel_loop3A_165, %get3A_114 : vector<16xf32>
      %parallel_loop3A_476 = arith.mulf %parallel_loop3A_169, %get3A_118 : vector<16xf32>
      %parallel_loop3A_477 = arith.addf %parallel_loop3A_473, %parallel_loop3A_474 : vector<16xf32>
      %parallel_loop3A_478 = arith.addf %parallel_loop3A_475, %parallel_loop3A_476 : vector<16xf32>
      %parallel_loop3A_479 = arith.addf %parallel_loop3A_477, %parallel_loop3A_478 : vector<16xf32>
      %parallel_loop3A_480 = arith.select %parallel_loop3A_178, %parallel_loop3A_475, %parallel_loop3A_476 : vector<16xi1>, vector<16xf32>
      %parallel_loop3A_481 = arith.select %parallel_loop3A_175, %parallel_loop3A_474, %parallel_loop3A_480 : vector<16xi1>, vector<16xf32>
      %parallel_loop3A_482 = arith.select %parallel_loop3A_172, %parallel_loop3A_473, %parallel_loop3A_481 : vector<16xi1>, vector<16xf32>
      %parallel_loop3A_483 = arith.divf %parallel_loop3A_482, %parallel_loop3A_479 : vector<16xf32>
      %parallel_loop3A_484 = tpu.bitcast %parallel_loop3A_483 : vector<16xf32> -> vector<16xi32>
      %parallel_loop3A_485 = arith.constant 23 : i32
      %parallel_loop3A_486 = vector.broadcast %parallel_loop3A_485 : i32 to vector<16xi32>
      %parallel_loop3A_487 = arith.shrsi %parallel_loop3A_484, %parallel_loop3A_486 : vector<16xi32>
      %parallel_loop3A_488 = arith.sitofp %parallel_loop3A_487 : vector<16xi32> to vector<16xf32>
      %parallel_loop3A_489 = arith.constant 8388607 : i32
      %parallel_loop3A_490 = vector.broadcast %parallel_loop3A_489 : i32 to vector<16xi32>
      %parallel_loop3A_491 = arith.andi %parallel_loop3A_484, %parallel_loop3A_490 : vector<16xi32>
      %parallel_loop3A_492 = arith.constant 1065353216 : i32
      %parallel_loop3A_493 = vector.broadcast %parallel_loop3A_492 : i32 to vector<16xi32>
      %parallel_loop3A_494 = arith.ori %parallel_loop3A_491, %parallel_loop3A_493 : vector<16xi32>
      %parallel_loop3A_495 = tpu.bitcast %parallel_loop3A_494 : vector<16xi32> -> vector<16xf32>
      %parallel_loop3A_496 = arith.constant 0.109671161 : f32
      %parallel_loop3A_497 = vector.broadcast %parallel_loop3A_496 : f32 to vector<16xf32>
      %parallel_loop3A_498 = arith.mulf %parallel_loop3A_497, %parallel_loop3A_495 : vector<16xf32>
      %parallel_loop3A_499 = arith.constant -0.728987336 : f32
      %parallel_loop3A_500 = vector.broadcast %parallel_loop3A_499 : f32 to vector<16xf32>
      %parallel_loop3A_501 = arith.addf %parallel_loop3A_498, %parallel_loop3A_500 : vector<16xf32>
      %parallel_loop3A_502 = arith.mulf %parallel_loop3A_501, %parallel_loop3A_495 : vector<16xf32>
      %parallel_loop3A_503 = arith.constant 2.11241078 : f32
      %parallel_loop3A_504 = vector.broadcast %parallel_loop3A_503 : f32 to vector<16xf32>
      %parallel_loop3A_505 = arith.addf %parallel_loop3A_502, %parallel_loop3A_504 : vector<16xf32>
      %parallel_loop3A_506 = arith.mulf %parallel_loop3A_505, %parallel_loop3A_495 : vector<16xf32>
      %parallel_loop3A_507 = arith.constant -89.5223388 : f32
      %parallel_loop3A_508 = vector.broadcast %parallel_loop3A_507 : f32 to vector<16xf32>
      %parallel_loop3A_509 = arith.addf %parallel_loop3A_506, %parallel_loop3A_508 : vector<16xf32>
      %parallel_loop3A_510 = arith.constant 0.693147182 : f32
      %parallel_loop3A_511 = vector.broadcast %parallel_loop3A_510 : f32 to vector<16xf32>
      %parallel_loop3A_512 = arith.mulf %parallel_loop3A_488, %parallel_loop3A_511 : vector<16xf32>
      %parallel_loop3A_513 = arith.addf %parallel_loop3A_512, %parallel_loop3A_509 : vector<16xf32>
      %parallel_loop3A_514 = arith.constant -23.0258503 : f32
      %parallel_loop3A_515 = vector.broadcast %parallel_loop3A_514 : f32 to vector<16xf32>
      %parallel_loop3A_516 = arith.maximumf %parallel_loop3A_513, %parallel_loop3A_515 : vector<16xf32>
      %parallel_loop3A_517 = arith.mulf %parallel_loop3A_150, %parallel_loop3A_516 : vector<16xf32>
      %parallel_loop3A_518 = arith.constant 6 : i32
      %parallel_loop3A_519 = arith.index_cast %parallel_loop3A_518 : i32 to index
      %parallel_loop3A_520 = arith.index_cast %parallel_loop3A_144 : i32 to index
      %parallel_loop3A_521 = tpu.vector_load %arg13[%parallel_loop3A_519, %parallel_loop3A_520] {strides = array<i32>} : memref<8x512xf32, #tpu.memory_space<vmem>>, vector<16xf32>,
      tpu.vector_store %arg13[%parallel_loop3A_519, %parallel_loop3A_520], %parallel_loop3A_517 {strides = array<i32>} : memref<8x512xf32, #tpu.memory_space<vmem>>, vector<16xf32>,
      %parallel_loop3A_522 = arith.mulf %parallel_loop3A_157, %get3A_122 : vector<16xf32>
      %parallel_loop3A_523 = arith.mulf %parallel_loop3A_161, %get3A_126 : vector<16xf32>
      %parallel_loop3A_524 = arith.mulf %parallel_loop3A_165, %get3A_130 : vector<16xf32>
      %parallel_loop3A_525 = arith.mulf %parallel_loop3A_169, %get3A_134 : vector<16xf32>
      %parallel_loop3A_526 = arith.addf %parallel_loop3A_522, %parallel_loop3A_523 : vector<16xf32>
      %parallel_loop3A_527 = arith.addf %parallel_loop3A_524, %parallel_loop3A_525 : vector<16xf32>
      %parallel_loop3A_528 = arith.addf %parallel_loop3A_526, %parallel_loop3A_527 : vector<16xf32>
      %parallel_loop3A_529 = arith.select %parallel_loop3A_178, %parallel_loop3A_524, %parallel_loop3A_525 : vector<16xi1>, vector<16xf32>
      %parallel_loop3A_530 = arith.select %parallel_loop3A_175, %parallel_loop3A_523, %parallel_loop3A_529 : vector<16xi1>, vector<16xf32>
      %parallel_loop3A_531 = arith.select %parallel_loop3A_172, %parallel_loop3A_522, %parallel_loop3A_530 : vector<16xi1>, vector<16xf32>
      %parallel_loop3A_532 = arith.divf %parallel_loop3A_531, %parallel_loop3A_528 : vector<16xf32>
      %parallel_loop3A_533 = tpu.bitcast %parallel_loop3A_532 : vector<16xf32> -> vector<16xi32>
      %parallel_loop3A_534 = arith.constant 23 : i32
      %parallel_loop3A_535 = vector.broadcast %parallel_loop3A_534 : i32 to vector<16xi32>
      %parallel_loop3A_536 = arith.shrsi %parallel_loop3A_533, %parallel_loop3A_535 : vector<16xi32>
      %parallel_loop3A_537 = arith.sitofp %parallel_loop3A_536 : vector<16xi32> to vector<16xf32>
      %parallel_loop3A_538 = arith.constant 8388607 : i32
      %parallel_loop3A_539 = vector.broadcast %parallel_loop3A_538 : i32 to vector<16xi32>
      %parallel_loop3A_540 = arith.andi %parallel_loop3A_533, %parallel_loop3A_539 : vector<16xi32>
      %parallel_loop3A_541 = arith.constant 1065353216 : i32
      %parallel_loop3A_542 = vector.broadcast %parallel_loop3A_541 : i32 to vector<16xi32>
      %parallel_loop3A_543 = arith.ori %parallel_loop3A_540, %parallel_loop3A_542 : vector<16xi32>
      %parallel_loop3A_544 = tpu.bitcast %parallel_loop3A_543 : vector<16xi32> -> vector<16xf32>
      %parallel_loop3A_545 = arith.constant 0.109671161 : f32
      %parallel_loop3A_546 = vector.broadcast %parallel_loop3A_545 : f32 to vector<16xf32>
      %parallel_loop3A_547 = arith.mulf %parallel_loop3A_546, %parallel_loop3A_544 : vector<16xf32>
      %parallel_loop3A_548 = arith.constant -0.728987336 : f32
      %parallel_loop3A_549 = vector.broadcast %parallel_loop3A_548 : f32 to vector<16xf32>
      %parallel_loop3A_550 = arith.addf %parallel_loop3A_547, %parallel_loop3A_549 : vector<16xf32>
      %parallel_loop3A_551 = arith.mulf %parallel_loop3A_550, %parallel_loop3A_544 : vector<16xf32>
      %parallel_loop3A_552 = arith.constant 2.11241078 : f32
      %parallel_loop3A_553 = vector.broadcast %parallel_loop3A_552 : f32 to vector<16xf32>
      %parallel_loop3A_554 = arith.addf %parallel_loop3A_551, %parallel_loop3A_553 : vector<16xf32>
      %parallel_loop3A_555 = arith.mulf %parallel_loop3A_554, %parallel_loop3A_544 : vector<16xf32>
      %parallel_loop3A_556 = arith.constant -89.5223388 : f32
      %parallel_loop3A_557 = vector.broadcast %parallel_loop3A_556 : f32 to vector<16xf32>
      %parallel_loop3A_558 = arith.addf %parallel_loop3A_555, %parallel_loop3A_557 : vector<16xf32>
      %parallel_loop3A_559 = arith.constant 0.693147182 : f32
      %parallel_loop3A_560 = vector.broadcast %parallel_loop3A_559 : f32 to vector<16xf32>
      %parallel_loop3A_561 = arith.mulf %parallel_loop3A_537, %parallel_loop3A_560 : vector<16xf32>
      %parallel_loop3A_562 = arith.addf %parallel_loop3A_561, %parallel_loop3A_558 : vector<16xf32>
      %parallel_loop3A_563 = arith.constant -23.0258503 : f32
      %parallel_loop3A_564 = vector.broadcast %parallel_loop3A_563 : f32 to vector<16xf32>
      %parallel_loop3A_565 = arith.maximumf %parallel_loop3A_562, %parallel_loop3A_564 : vector<16xf32>
      %parallel_loop3A_566 = arith.mulf %parallel_loop3A_150, %parallel_loop3A_565 : vector<16xf32>
      %parallel_loop3A_567 = arith.constant 7 : i32
      %parallel_loop3A_568 = arith.index_cast %parallel_loop3A_567 : i32 to index
      %parallel_loop3A_569 = arith.index_cast %parallel_loop3A_144 : i32 to index
      %parallel_loop3A_570 = tpu.vector_load %arg13[%parallel_loop3A_568, %parallel_loop3A_569] {strides = array<i32>} : memref<8x512xf32, #tpu.memory_space<vmem>>, vector<16xf32>,
      tpu.vector_store %arg13[%parallel_loop3A_568, %parallel_loop3A_569], %parallel_loop3A_566 {strides = array<i32>} : memref<8x512xf32, #tpu.memory_space<vmem>>, vector<16xf32>,
    } {sc.loop_unroll_factor = 1 : i64, sc.parallel_access}
    "tpu.region"() ({
      %run_scoped3A = tpu.sem_alloc : memref<!tpu.dma_semaphore, #tpu.memory_space<semaphore_mem>>
      %dma_start3A_142 = arith.constant 0 : i32
      %dma_start3A_143 = tpu.memref_slice %arg7[%dma_start3A_142, %mul3A_2] : memref<8x16384xf32, #tpu.memory_space<hbm>> -> memref<8x512xf32, #tpu.memory_space<hbm>>
      %dma_start3A_144 = arith.constant 0 : i32
      %dma_start3A_145 = tpu.memref_slice %arg7[%dma_start3A_144, %mul3A_2] : memref<8x16384xf32, #tpu.memory_space<hbm>> -> memref<8x512xf32, #tpu.memory_space<hbm>>
      tpu.enqueue_dma source(%arg13 : memref<8x512xf32, #tpu.memory_space<vmem>>) target(%dma_start3A_145 : memref<8x512xf32, #tpu.memory_space<hbm>>) target_semaphore(%run_scoped3A : memref<!tpu.dma_semaphore, #tpu.memory_space<semaphore_mem>>)
      %dma_wait3A_146 = arith.constant 0 : i32
      %dma_wait3A_147 = tpu.memref_slice %arg7[%dma_wait3A_146, %mul3A_2] : memref<8x16384xf32, #tpu.memory_space<hbm>> -> memref<8x512xf32, #tpu.memory_space<hbm>>
      %dma_wait3A_148 = arith.constant 0 : i32
      %dma_wait3A_149 = tpu.memref_slice %arg7[%dma_wait3A_148, %mul3A_2] : memref<8x16384xf32, #tpu.memory_space<hbm>> -> memref<8x512xf32, #tpu.memory_space<hbm>>
      tpu.wait_dma2 semaphore(%run_scoped3A : memref<!tpu.dma_semaphore, #tpu.memory_space<semaphore_mem>>) src(%arg13 : memref<8x512xf32, #tpu.memory_space<vmem>>) dst(%dma_wait3A_149 : memref<8x512xf32, #tpu.memory_space<hbm>>)
      tpu.yield
    }) : () -> ()
    return
  }
}

</mosaic_0001>

<sc_bundles>
// kernel: kernel.3.cloned.1.call-start
scs
__scs_entry_jumppad:
0x0: {  	(pc) =	sbr.rel $0x88, $3  }
0x1: {  	(tag) =	ssettag $0x0;
	lr =	simm.s32 $0x1  }
0x2: {  	[smem:$0x3F9C] =	sst lr;
	_ =	strace $0xD0000000  }
0x3: {  	_ = 	snop  }
0x4: {  	_ = 	snop  }
0x5: {  	_ = 	snop  }
0x6: {  	_ = 	snop  }
0x7: {  	_ = 	snop  }
__scs_overlays_trampoline_lowered:
0x8: {  	[smem:$0x3FAB] =	sst s0  }
0x9: {  	[smem:$0x3FAC] =	sst s1  }
0xa: {  	[smem:$0x3FAD] =	sst s2  }
0xb: {  	[smem:$0x3FAE] =	sst s3  }
0xc: {  	[smem:$0x3FAF] =	sst s4  }
0xd: {  	[smem:$0x3FB0] =	sst s5  }
0xe: {  	[smem:$0x3FB1] =	sst s6  }
0xf: {  	[smem:$0x3FB2] =	sst s7  }
0x10: {  	[smem:$0x3FB3] =	sst s8  }
0x11: {  	[smem:$0x3FB4] =	sst s9;
	s0 =	simm.s32 @!p0 $0x0  }
0x12: {  	s1 =	sld [smem:$0x3F9A];
	s0 =	simm.s32 @p0 $0x1  }
0x13: {  	[smem:$0x3FB5] =	sst s0;
	s0 =	simm.s32 @!p1 $0x0  }
0x14: {  	s2 =	sld [smem:$0x3F99];
	s0 =	simm.s32 @p1 $0x1  }
0x15: {  	[smem:$0x3FB6] =	sst s0;
	s0 =	simm.s32 @!p2 $0x0  }
0x16: {  	s3 =	sld [smem:$0x3FDB];
	s0 =	simm.s32 @p2 $0x1  }
0x17: {  	s4 =	simm.s32 $0x1BF5;
	[smem:$0x3FB8] =	sst s0  }
0x18: {  	s0 =	sld [smem:$0x3F9B];
	_ =	swait.ge [sflag:s4], $0x0  }
0x19: {  	s7 =	sld [smem:$0x3F9C]  }
0x1a: {  	s8 =	sadd.s32 $0xFFFFE003, lr  }
0x1b: {  	s9 =	sadd.s32 $0xFFFFFEF7, lr;
	s5 =	simm.s32 $0xFFFFFFFF;
	p2 =	slt.u32 s8, $0xFFFFF086  }
0x1c: {  	p1 =	slt.u32 s9, $0xF7A;
	s5 =	simm.s32 @!p2 $0x0  }
0x1d: {  	s5 =	simm.s32 @p1 $0x1;
	p0 =	seq.s32 s7, s2  }
0x1e: {  	s7 =	smul.u32 @!p0 $0xF7A, s2;
	p2 =	seq.s32 @!p0 s5, $0x0  }
0x1f: {  	s9 =	smul.u32 $0xF7A, s1;
	s8 =	simm.s32 @!p0 $0x1BF5;
	p2 =	por !p2, p0  }
0x20: {  	[sflag:s8] =	ssyncset.s32 @!p0 $0xFFFFF086;
	s6 =	sadd.s32 @!p0 s3, s7;
	s7 =	simm.s32 @!p0 $0x108  }
0x21: {  	s3 =	sadd.s32 s3, s9;
	s6 =	sadd.s32 @!p0 $0x88, s6;
	s7 =	simm.s32 @p2 $0x1082  }
0x22: {  	[simem:s7], [sflag:s8] =	dma.local @!p0 [hbm:s6], $0xF7A  }
0x23: {  	s9 =	sor.u32 $0xD0000000, s2;
	s6 =	simm.s32 $0x108;
	_ =	swait.ge @!p0 [sflag:s8], $0x0  }
0x24: {  	s3 =	sadd.s32 $0x88, s3;
	s6 =	simm.s32 @!p1 $0x1082;
	[sflag:s4] =	ssyncset.s32 $0xFFFFF086  }
0x25: {  	[simem:s6], [sflag:s4] =	dma.local [hbm:s3], $0xF7A  }
0x26: {  	[smem:$0x3F9C] =	sst s1;
	(tag) =	ssettag s2;
	_ =	strace s9  }
0x27: {  	s1 =	sld [smem:$0x3FAC]  }
0x28: {  	s2 =	sld [smem:$0x3FAD]  }
0x29: {  	s4 =	sld [smem:$0x3FAF]  }
0x2a: {  	p0 =	seq.s32 s5, $0x0;
	s5 =	sld [smem:$0x3FB0]  }
0x2b: {  	s6 =	sld [smem:$0x3FB1]  }
0x2c: {  	s7 =	sld [smem:$0x3FB2]  }
0x2d: {  	s3 =	simm.s32 $0x108;
	s8 =	sld [smem:$0x3FB3]  }
0x2e: {  	s3 =	simm.s32 @!p0 $0x1082;
	s9 =	sld [smem:$0x3FB4]  }
0x2f: {  	lr =	sadd.s32 s0, s3;
	s0 =	sld [smem:$0x3FAB]  }
0x30: {  	s3 =	sld [smem:$0x3FAE]  }
0x31: {  	[smem:$0x3FB7] =	sst s10  }
0x32: {  	s10 =	sld [smem:$0x3FB5];
	_ =	sdelay $0x3  }
0x33: {  	p0 =	seq.s32 s10, $0x1;
	s10 =	sld [smem:$0x3FB7];
	_ =	sdelay $0x3  }
0x34: {  	[smem:$0x3FB7] =	sst s10  }
0x35: {  	s10 =	sld [smem:$0x3FB6];
	_ =	sdelay $0x3  }
0x36: {  	p1 =	seq.s32 s10, $0x1;
	s10 =	sld [smem:$0x3FB7];
	_ =	sdelay $0x3  }
0x37: {  	[smem:$0x3FB7] =	sst s10  }
0x38: {  	s10 =	sld [smem:$0x3FB8]  }
0x39: {  	_ = 	snop;
	(pc) =	sbr.ind lr, $3  }
0x3a: {  	_ = 	snop  }
0x3b: {  	_ = 	snop  }
0x3c: {  	p2 =	seq.s32 s10, $0x1;
	s10 =	sld [smem:$0x3FB7]  }
0x3d: {  	_ =	shalt  }
0x3e: {  	_ =	shalt  }
0x3f: {  	_ =	shalt  }
0x40: {  	_ =	shalt  }
0x41: {  	_ =	shalt  }
0x42: {  	_ =	shalt  }
0x43: {  	_ =	shalt  }
0x44: {  	_ =	shalt  }
0x45: {  	_ =	shalt  }
0x46: {  	_ =	shalt  }
0x47: {  	_ =	shalt  }
0x48: {  	_ =	shalt  }
0x49: {  	_ =	shalt  }
0x4a: {  	_ =	shalt  }
0x4b: {  	_ =	shalt  }
0x4c: {  	_ =	shalt  }
0x4d: {  	_ =	shalt  }
0x4e: {  	_ =	shalt  }
0x4f: {  	_ =	shalt  }
0x50: {  	_ =	shalt  }
0x51: {  	_ =	shalt  }
0x52: {  	_ =	shalt  }
0x53: {  	_ =	shalt  }
0x54: {  	_ =	shalt  }
0x55: {  	_ =	shalt  }
0x56: {  	_ =	shalt  }
0x57: {  	_ =	shalt  }
0x58: {  	_ =	shalt  }
0x59: {  	_ =	shalt  }
0x5a: {  	_ =	shalt  }
0x5b: {  	_ =	shalt  }
0x5c: {  	_ =	shalt  }
0x5d: {  	_ =	shalt  }
0x5e: {  	_ =	shalt  }
0x5f: {  	_ =	shalt  }
0x60: {  	_ =	shalt  }
0x61: {  	_ =	shalt  }
0x62: {  	_ =	shalt  }
0x63: {  	_ =	shalt  }
0x64: {  	_ =	shalt  }
0x65: {  	_ =	shalt  }
0x66: {  	_ =	shalt  }
0x67: {  	_ =	shalt  }
0x68: {  	_ =	shalt  }
0x69: {  	_ =	shalt  }
0x6a: {  	_ =	shalt  }
0x6b: {  	_ =	shalt  }
0x6c: {  	_ =	shalt  }
0x6d: {  	_ =	shalt  }
0x6e: {  	_ =	shalt  }
0x6f: {  	_ =	shalt  }
0x70: {  	_ =	shalt  }
0x71: {  	_ =	shalt  }
0x72: {  	_ =	shalt  }
0x73: {  	_ =	shalt  }
0x74: {  	_ =	shalt  }
0x75: {  	_ =	shalt  }
0x76: {  	_ =	shalt  }
0x77: {  	_ =	shalt  }
0x78: {  	_ =	shalt  }
0x79: {  	_ =	shalt  }
0x7a: {  	_ =	shalt  }
0x7b: {  	_ =	shalt  }
0x7c: {  	_ =	shalt  }
0x7d: {  	_ =	shalt  }
0x7e: {  	_ =	shalt  }
0x7f: {  	_ =	shalt  }
0x80: {  	_ =	shalt  }
0x81: {  	_ =	shalt  }
0x82: {  	_ =	shalt  }
0x83: {  	_ =	shalt  }
0x84: {  	_ =	shalt  }
0x85: {  	_ =	shalt  }
0x86: {  	_ =	shalt  }
0x87: {  	_ =	shalt  }
.Lfunc_end0:
.L_simem_size_0:
called_computation_lowered:
.L_overlay_start_0:
0x88: {  	s2 =	sld [smem:$0x3FD9]  }
0x89: {  	s3 =	sld [smem:$0x3FFE];
	_ =	sdelay $0x1  }
0x8a: {  	s1 =	srdreg.scid  }
0x8b: {  	s0 =	sand.u32 $0x1, s1  }
0x8c: {  	s17 =	sshll.u32 s0, $0xA;
	s2 =	sadd.s32 s3, s2  }
0x8d: {  	s2 =	sadd.s32 s2, s17  }
0x8e: {  	[smem:$0x3FC3] =	sst s2  }
0x8f: {  	_ = 	snop  }
0x90: {  	s2 =	sld [smem:$0x3FC7]  }
0x91: {  	s18 =	sld [smem:$0x3FC6]  }
0x92: {  	s4 =	sld [smem:$0x3FC5]  }
0x93: {  	s5 =	sld [smem:$0x3FD0];
	(tm) =	ssettm $0x1  }
0x94: {  	s6 =	sld [smem:$0x3FFB];
	_ =	sdelay $0x3  }
0x95: {  	_ =	strace s6  }
0x96: {  	s6 =	sld [smem:$0x3FFC];
	_ =	sdelay $0x3  }
0x97: {  	_ =	strace s6  }
0x98: {  	s6 =	sld [smem:$0x3FFD];
	_ =	sdelay $0x3  }
0x99: {  	_ =	strace s6  }
0x9a: {  	_ =	strace $0x8FFFFFFF  }
0x9b: {  	s19 =	sld [smem:$0x3FDB];
	_ =	sdelay $0x1  }
0x9c: {  	s7 =	simm.s32 $_scs_section_size  }
0x9d: {  	s8 =	simm.s32 $_size__tile_overlayer_lowered;
	s9 =	simm.s32 $_tile_overlayer_lowered  }
0x9e: {  	s22 =	simm.s32 $0x1BFF;
	s21 =	sshll.u32 s9, $0x1;
	s6 =	sadd.s32 s7, s19  }
0x9f: {  	s10 =	simm.s32 $0x0;
	s20 =	sshll.u32 s8, $0x1;
	s8 =	sadd.s32 s21, s6  }
0xa0: {  	[timem:s10], [sflag:s22] =	dma.local [hbm:s8], s20  }
0xa1: {  	_ =	swait.ge [sflag:s22], s20  }
0xa2: {  	s7 =	ssub.s32 $0x0, s20;
	[sflag:s22] =	ssyncset.done $0x0  }
0xa3: {  	[sflag:s22] =	ssyncadd.s32 s7;
	_ =	sdelay $0x1  }
0xa4: {  	s23 =	simm.s32 $0x1B8B  }
0xa5: {  	_ =	swait.ge [sflag:s23], $0x1  }
0xa6: {  	[sflag:s23] =	ssyncset.done $0x0  }
0xa7: {  	s25 =	simm.s32 $0x1B8E;
	s24 =	sld [smem:$0x3FFE];
	[sflag:s23] =	ssyncadd.s32 $0xFFFFFFFF  }
0xa8: {  	s26 =	simm.s32 $execute0_lowered;
	[smem:$0x3FD2] =	sst s25  }
0xa9: {  	s8 =	sshll.u32 s26, $0x1;
	_ =	strace $0x80000046;
	[dreg:$0x1] =	wrdreg $0xFFFFFFFF  }
0xaa: {  	s28 =	simm.s32 $_size_execute0_lowered;
	s6 =	sadd.s32 s6, s8;
	[dreg:$0x0] =	wrdreg $0x0  }
0xab: {  	s8 =	sshll.u32 s28, $0x1;
	[dreg:$0x2] =	wrdreg s6  }
0xac: {  	[dreg:$0x3] =	wrdreg s8  }
0xad: {  	[dreg:$0x4] =	wrdreg $0xC0  }
0xae: {  	_ =	task [dreg:s10], $0x5FFFF  }
0xaf: {  	[dreg:$0x1] =	wrdreg $0xFFFFFFFF  }
0xb0: {  	[dreg:$0x0] =	wrdreg $0x60  }
0xb1: {  	[dreg:$0x2] =	wrdreg s24  }
0xb2: {  	[dreg:$0x3] =	wrdreg s2  }
0xb3: {  	[dreg:$0x4] =	wrdreg s18  }
0xb4: {  	[dreg:$0x5] =	wrdreg s4  }
0xb5: {  	[dreg:$0x6] =	wrdreg s5  }
0xb6: {  	[dreg:$0x7] =	wrdreg $0x9  }
0xb7: {  	_ =	task.clear_ibuf [dreg:s10], $0x8FFFF;
	_ =	strace $0x90000046  }
0xb8: {  	s29 =	simm.s32 $0x9;
	_ =	strace $0x80000048  }
0xb9: {  	_ =	swait.ge [sflag:s29], $0x1  }
0xba: {  	[sflag:s29] =	ssyncadd.s32 $0xFFFFFFFF  }
0xbb: {  	_ =	strace $0x90000048  }
0xbc: {  	_ =	sfence  }
0xbd: {  	s30 =	sld [smem:$0x0];
	_ =	sdelay $0x2  }
0xbe: {  	s31 =	sshll.u32 s1, $0xD;
	s1 =	sshrl.u32 s1, $0x2  }
0xbf: {  	s3 =	sand.u32 $0x4000, s31;
	s1 =	sadd.s32 s1, s30  }
0xc0: {  	s0 =	sor.u32 s3, s0;
	s1 =	sshll.u32 s1, $0x11  }
0xc1: {  	s0 =	sor.u32 s1, s0  }
0xc2: {  	s0 =	sadd.s32 $0x8F2B, s0  }
0xc3: {  	[sflag:s0] =	ssyncadd.remote.s32 $0x1  }
0xc4: {  	_ =	sfence.sel $0xFFFF  }
0xc5: {  	[dreg:$0x0] =	wrdreg $0xFFFFFFFF;
	(pc) =	sbr.abs _section_cstart, $3  }
0xc6: {  	[dreg:$0x1] =	wrdreg $0xFFFFFFFF  }
0xc7: {  	_ =	task.clear_ibuf [dreg:s10], $0x2FFFF;
	_ =	strace $0x9FFFFFFF  }
0xc8: {  	(tm) =	ssettm $0x7FFFFFFF  }
0xc9: {  	_ =	shalt  }
tec
execute0_lowered:
.L_overlay_start_1:
0x0: {  	(tag) =	ssettag $0x1  }
0x1: {  	s4 =	rddreg [dreg:$0x0]  }
0x2: {  	s5 =	rddreg [dreg:$0x1]  }
0x3: {  	s6 =	rddreg [dreg:$0x2]  }
0x4: {  	s7 =	rddreg [dreg:$0x3]  }
0x5: {  	s8 =	rddreg [dreg:$0x4]  }
0x6: {  	s0 =	rddreg [dreg:$0x5];
	s3 =	srdreg.scid  }
0x7: {  	s2 =	simm.s32 $0x0;
	s1 =	stileid.u32;
	s13 =	simm.s32 $0x2  }
0x8: {  	s14 =	simm.s32 $0x3;
	s15 =	simm.s32 $0x4;
	s16 =	simm.s32 $0x2600  }
0x9: {  	s17 =	simm.s32 $0x0;
	s3 =	sand.u32 $0x1, s3;
	[smem:$0x7FF] =	sst s2  }
0xa: {  	s9 =	sshll.u32 s1, $0xA;
	s10 =	sshll.u32 s3, $0x9;
	_ =	strace $0x80000047  }
0xb: {  	s11 =	ssub.s32 $0x2, s3;
	s3 =	sadd.s32 $0x600, s4;
	s9 =	sor.u32 s10, s9  }
0xc: {  	s4 =	sadd.s32 $0x400, s4;
	s31 =	sshrl.u32 s11, $0x1;
	s12 =	sshrl.u32 s9, $0x3  }
0xd: {  	s10 =	ssub.s32 s11, s31;
	s8 =	sadd.s32 s8, s9;
	s11 =	simm.s32 $0x5  }
0xe: {  	s5 =	sadd.s32 s5, s12;
	s6 =	sadd.s32 s6, s12;
	s7 =	sadd.s32 s7, s12  }
0xf: {  	s9 =	smax.u32 s10, $0x1;
	s10 =	simm.s32 $0x1000;
	s12 =	simm.s32 $0x1  }
.LBB2_1:
0x10: {  	[tilespmem:s10], [sflag:$0x1] =	stream.linear.gather [hbm4b:s4+s2], $0x1000, $0x38;
	[tilespmem:$0x3600] =	vst v63  }
0x11: {  	s18 =	simm.s32 $0x2000  }
0x12: {  	[tilespmem:s18], [sflag:$0x2] =	stream.linear.gather [hbm4b:s5+s2], $0x200, $0x38;
	[tilespmem:$0x3600] =	vst v63  }
0x13: {  	s20 =	simm.s32 $0x2200  }
0x14: {  	[tilespmem:s20], [sflag:$0x3] =	stream.linear.gather [hbm4b:s6+s2], $0x200, $0x38;
	[tilespmem:$0x3600] =	vst v63  }
0x15: {  	s19 =	simm.s32 $0x2400  }
0x16: {  	[tilespmem:s19], [sflag:$0x4] =	stream.linear.gather [hbm4b:s7+s2], $0x200, $0x38;
	[tilespmem:$0x3600] =	vst v63  }
0x17: {  	_ = 	snop  }
0x18: {  	[tilespmem:s2], [sflag:$0x5] =	stream.linear.gather [hbm4b:s3+s2], $0x1000, $0x38;
	[tilespmem:$0x3600] =	vst v63  }
0x19: {  	_ =	swait.ge [sflag:s11], $0x1000  }
0x1a: {  	[sflag:s11] =	ssyncset.done $0x0  }
0x1b: {  	[sflag:s11] =	ssyncadd.s32 $0xFFFFF000  }
0x1c: {  	v0 =	vld [tilespmem:$0x0]  }
0x1d: {  	v1 =	vld [tilespmem:$0x80]  }
0x1e: {  	v2 =	vld [tilespmem:$0x100]  }
0x1f: {  	v3 =	vld [tilespmem:$0x180]  }
0x20: {  	v4 =	vld [tilespmem:$0x200]  }
0x21: {  	v5 =	vld [tilespmem:$0x280]  }
0x22: {  	v6 =	vld [tilespmem:$0x300]  }
0x23: {  	v7 =	vld [tilespmem:$0x380]  }
0x24: {  	v8 =	vld [tilespmem:$0x400]  }
0x25: {  	v9 =	vld [tilespmem:$0x480]  }
0x26: {  	v10 =	vld [tilespmem:$0x500]  }
0x27: {  	v11 =	vld [tilespmem:$0x580]  }
0x28: {  	v13 =	vld [tilespmem:$0x600]  }
0x29: {  	v14 =	vld [tilespmem:$0x680]  }
0x2a: {  	v16 =	vld [tilespmem:$0x700]  }
0x2b: {  	v17 =	vld [tilespmem:$0x780]  }
0x2c: {  	v19 =	vld [tilespmem:$0x800]  }
0x2d: {  	v15 =	vld [tilespmem:$0x880]  }
0x2e: {  	v23 =	vld [tilespmem:$0x900]  }
0x2f: {  	v58 =	vld [tilespmem:$0x980]  }
0x30: {  	v27 =	vld [tilespmem:$0xA00]  }
0x31: {  	v18 =	vld [tilespmem:$0xA80]  }
0x32: {  	v57 =	vld [tilespmem:$0xB00]  }
0x33: {  	v30 =	vld [tilespmem:$0xB80]  }
0x34: {  	v59 =	vld [tilespmem:$0xC00]  }
0x35: {  	v60 =	vld [tilespmem:$0xC80]  }
0x36: {  	v12 =	vld [tilespmem:$0xD00]  }
0x37: {  	v25 =	vld [tilespmem:$0xD80]  }
0x38: {  	v20 =	vld [tilespmem:$0xE00]  }
0x39: {  	v21 =	vld [tilespmem:$0xE80]  }
0x3a: {  	v28 =	vld [tilespmem:$0xF00]  }
0x3b: {  	v29 =	vld [tilespmem:$0xF80];
	_ =	swait.ge [sflag:s12], $0x1000  }
0x3c: {  	[sflag:s12] =	ssyncset.done $0x0  }
0x3d: {  	[sflag:s12] =	ssyncadd.s32 $0xFFFFF000  }
0x3e: {  	_ =	swait.ge [sflag:s13], $0x200  }
0x3f: {  	[sflag:s13] =	ssyncset.done $0x0  }
0x40: {  	[sflag:s13] =	ssyncadd.s32 $0xFFFFFE00  }
0x41: {  	_ =	swait.ge [sflag:s14], $0x200  }
0x42: {  	[sflag:s14] =	ssyncset.done $0x0  }
0x43: {  	[sflag:s14] =	ssyncadd.s32 $0xFFFFFE00  }
0x44: {  	_ =	swait.ge [sflag:s15], $0x200  }
0x45: {  	[sflag:s15] =	ssyncset.done $0x0  }
0x46: {  	[sflag:s15] =	ssyncadd.s32 $0xFFFFFE00  }
0x47: {  	v32 =	vld [tilespmem:s20+$0x0];
	_ =	sdelay $0x4  }
0x48: {  	v32 =	vshll.u32 v32, $0x2;
	_ =	sdelay $0x2  }
0x49: {  	v33 =	vor.u32 $0x1, v32  }
0x4a: {  	v36 =	vld [tilespmem:s18+$0x0];
	v34 =	vor.u32 $0x3, v32  }
0x4b: {  	v35 =	vor.u32 $0x2, v32;
	v32 =	vld.idx.msk [tilespmem:v32+s10+$0x0], $0xffff;
	_ =	sdelay $0x2  }
0x4c: {  	v33 =	vld.idx.msk [tilespmem:v33+s10+$0x0], $0xffff  }
0x4d: {  	v34 =	vld.idx.msk [tilespmem:v34+s10+$0x0], $0xffff  }
0x4e: {  	vm2 =	veq.s32 v36, $0x2;
	v35 =	vld.idx.msk [tilespmem:v35+s10+$0x0], $0xffff;
	v37 =	vmul.f32 v32, v4  }
0x4f: {  	vm0 =	veq.s32 v36, $0x0;
	v38 =	vmul.f32 v32, v20;
	v44 =	vmul.f32 v32, v13  }
0x50: {  	vm1 =	veq.s32 v36, $0x1;
	v36 =	vmul.f32 v32, v19;
	v56 =	vmul.f32 v32, v27  }
0x51: {  	v39 =	vmul.f32 v33, v15;
	v40 =	vmul.f32 v33, v18  }
0x52: {  	v41 =	vmul.f32 v33, v21;
	v42 =	vmul.f32 v34, v7  }
0x53: {  	v43 =	vmul.f32 v33, v14;
	v45 =	vmul.f32 v35, v10  }
0x54: {  	v46 =	vmul.f32 v35, v6;
	v47 =	vmul.f32 v35, v16  }
0x55: {  	v48 =	vmul.f32 v35, v23;
	v50 =	vmul.f32 v34, v29  }
0x56: {  	v51 =	vmul.f32 v35, v28;
	v53 =	vmul.f32 v33, v5  }
0x57: {  	v31 =	vmovc v30;
	[tilespmem:$0x1FFF0] =	vst v13;
	v13 =	vmov v5;
	v54 =	vmul.f32 v34, v17;
	v5 =	vmul.f32 v34, v11  }
0x58: {  	v61 =	vmul.f32 v34, v30;
	v30 =	vmovc v57;
	v57 =	vmul.f32 v35, v57;
	v49 =	vadd.f32 v43, v44  }
0x59: {  	v52 =	vsel vm2, v46, v42;
	v42 =	vadd.f32 v42, v46;
	v46 =	vsel vm2, v51, v50  }
0x5a: {  	v22 =	vmovc v16;
	v50 =	vadd.f32 v50, v51;
	v55 =	vadd.f32 v54, v47;
	v47 =	vsel vm2, v47, v54  }
0x5b: {  	v24 =	vmovc v19;
	v62 =	vadd.f32 v61, v57;
	v54 =	vsel vm2, v57, v61;
	v57 =	vmul.f32 v34, v58  }
0x5c: {  	[tilespmem:$0x1FF80] =	vst v4;
	v63 =	vadd.f32 v40, v56;
	v4 =	vadd.f32 v39, v36;
	v61 =	vmul.f32 v34, v25  }
0x5d: {  	v26 =	vmovc v23;
	v34 =	vmul.f32 v34, v3;
	v43 =	vsel vm1, v43, v47;
	v40 =	vsel vm1, v40, v54  }
0x5e: {  	[tilespmem:$0x1FF90] =	vst v20;
	v52 =	vsel vm1, v53, v52;
	v53 =	vadd.f32 v53, v37;
	v49 =	vadd.f32 v55, v49  }
0x5f: {  	[tilespmem:$0x1FFA0] =	vst v15;
	v55 =	vadd.f32 v5, v45;
	v45 =	vsel vm2, v45, v5;
	v47 =	vadd.f32 v62, v63  }
0x60: {  	[tilespmem:$0x1FFB0] =	vst v18;
	v5 =	vadd.f32 v57, v48;
	v40 =	vsel vm0, v56, v40;
	v56 =	vmul.f32 v32, v8  }
0x61: {  	[tilespmem:$0x1FFC0] =	vst v21;
	v62 =	vmul.f32 v35, v12;
	v43 =	vsel vm0, v44, v43;
	v35 =	vmul.f32 v35, v2  }
0x62: {  	v20 =	vmovc v29;
	v42 =	vadd.f32 v42, v53;
	v53 =	vadd.f32 v41, v38;
	v41 =	vsel vm1, v41, v46  }
0x63: {  	v19 =	vmovc v11;
	v18 =	vmovc v10;
	v46 =	vmul.f32 v32, v59;
	(erf) = vrcp.f32 v49;
	v51 =	vadd.f32 v5, v4  }
0x64: {  	v21 =	vmovc v28;
	v23 =	vmovc v17;
	v48 =	vsel vm2, v48, v57;
	v32 =	vmul.f32 v32, v0;
	(erf) = vrcp.f32 v47  }
0x65: {  	v28 =	vmovc v27;
	v27 =	vmovc v58;
	v37 =	vsel vm0, v37, v52;
	v47 =	vmul.f32 v33, v60;
	(erf) = vrcp.f32 v51  }
0x66: {  	v16 =	vmovc v8;
	v58 =	vsel vm0, v38, v41;
	v63 =	vadd.f32 v61, v62;
	v41 =	vsel vm2, v62, v61  }
0x67: {  	v15 =	vmovc v25;
	v29 =	vmovc v12;
	v4 =	vmul.f32 v33, v9;
	v5 =	vadd.f32 v47, v46;
	(erf) = vrcp.f32 v42  }
0x68: {  	v12 =	vmovc v59;
	v61 =	vsel vm1, v39, v48;
	v33 =	vmul.f32 v33, v1;
	v59 =	vadd.f32 v50, v53  }
0x69: {  	v25 =	vmovc v60;
	v60 =	vsel vm2, v35, v34;
	v54 =	vadd.f32 v4, v56;
	v38 =	vadd.f32 v63, v5  }
0x6a: {  	v17 =	vmovc v9;
	v34 =	vadd.f32 v34, v35;
	v51 =	vsel vm1, v4, v45;
	v49 =	vsel vm1, v33, v60  }
0x6b: {  	v8 =	vmovc v0;
	v9 =	vmovc v1;
	v33 =	vadd.f32 v33, v32;
	v55 =	vadd.f32 v55, v54;
	(erf) = vrcp.f32 v38  }
0x6c: {  	v35 =	vsel vm0, v36, v61;
	v42 =	vsel vm0, v56, v51;
	v62 =	vpop (erf);
	(erf) = vrcp.f32 v59  }
0x6d: {  	v1 =	vsel vm1, v47, v41;
	v33 =	vadd.f32 v34, v33;
	v63 =	vpop (erf);
	(erf) = vrcp.f32 v55  }
0x6e: {  	v32 =	vsel vm0, v32, v49;
	v38 =	vmul.f32 v62, v43;
	v0 =	vmul.f32 v63, v40;
	v4 =	vpop (erf)  }
0x6f: {  	v10 =	vmovc v2;
	v11 =	vmovc v3;
	v2 =	vsel vm0, v46, v1;
	(erf) = vrcp.f32 v33;
	v35 =	vmul.f32 v4, v35  }
0x70: {  	v52 =	vshra.s32 v38, $0x17;
	v53 =	vand.u32 $0x7FFFFF, v38;
	v55 =	vpop (erf);
	v3 =	vand.u32 $0x7FFFFF, v0  }
0x71: {  	v44 =	vshra.s32 v0, $0x17;
	v37 =	vmul.f32 v55, v37;
	v5 =	vor.u32 $0x3F800000, v3  }
0x72: {  	v33 =	vcvt.s32.f32 v52;
	v56 =	vand.u32 $0x7FFFFF, v35;
	v54 =	vmul.f32 $1.096711610e-01, v5  }
0x73: {  	v36 =	vor.u32 $0x3F800000, v56;
	v45 =	vshra.s32 v37, $0x17;
	v37 =	vand.u32 $0x7FFFFF, v37  }
0x74: {  	v34 =	vor.u32 $0x3F800000, v53;
	v57 =	vpop (erf);
	v59 =	vmul.f32 $1.096711610e-01, v36;
	v43 =	vor.u32 $0x3F800000, v37  }
0x75: {  	v38 =	vadd.f32 $-7.289873360e-01, v54;
	v62 =	vmul.f32 $1.096711610e-01, v43;
	v39 =	vmul.f32 v57, v2  }
0x76: {  	v35 =	vshra.s32 v35, $0x17;
	v49 =	vpop (erf);
	v46 =	vadd.f32 $-7.289873360e-01, v59;
	v59 =	vmul.f32 $1.096711610e-01, v34  }
0x77: {  	v60 =	vmul.f32 v5, v38;
	v61 =	vpop (erf);
	v47 =	vadd.f32 $-7.289873360e-01, v62;
	v1 =	vshra.s32 v39, $0x17  }
0x78: {  	v2 =	vand.u32 $0x7FFFFF, v39;
	v49 =	vmul.f32 v49, v58;
	v63 =	vmul.f32 v61, v42  }
0x79: {  	v42 =	vcvt.s32.f32 v35;
	v3 =	vpop (erf);
	v40 =	vor.u32 $0x3F800000, v2;
	v38 =	vcvt.s32.f32 v1  }
0x7a: {  	v46 =	vmul.f32 v36, v46;
	v50 =	vadd.f32 $-7.289873360e-01, v59;
	v32 =	vmul.f32 v3, v32  }
0x7b: {  	v0 =	vadd.f32 $2.112410780e+00, v60;
	v57 =	vmul.f32 v43, v47;
	v47 =	vcvt.s32.f32 v45  }
0x7c: {  	v45 =	vcvt.s32.f32 v44;
	v4 =	vand.u32 $0x7FFFFF, v63;
	v63 =	vshra.s32 v63, $0x17  }
0x7d: {  	v35 =	vmul.f32 v5, v0;
	v5 =	vmul.f32 $1.096711610e-01, v40;
	v56 =	vand.u32 $0x7FFFFF, v32  }
0x7e: {  	s21 =	sand.u32 $0xC00, s2;
	v60 =	vshra.s32 v32, $0x17;
	v32 =	vor.u32 $0x3F800000, v4;
	v37 =	vor.u32 $0x3F800000, v56  }
0x7f: {  	v51 =	vadd.f32 $2.112410780e+00, v57;
	v61 =	vmul.f32 $1.096711610e-01, v37;
	v62 =	vadd.f32 $-7.289873360e-01, v5  }
0x80: {  	s23 =	simm.s32 $0x10;
	s25 =	simm.s32 $0x2210;
	s26 =	simm.s32 $0x0;
	[tilespmem:$0x1FFD0] =	vst v7;
	v39 =	vcvt.s32.f32 v63;
	v44 =	vmul.f32 $1.096711610e-01, v32;
	v41 =	vadd.f32 $-8.952233880e+01, v35  }
0x81: {  	s24 =	simm.s32 $0x2400;
	s22 =	simm.s32 $0x0;
	s20 =	sor.u32 s2, s2;
	[tilespmem:$0x1FFE0] =	vst v14;
	v14 =	vmovc v6;
	v35 =	vcvt.s32.f32 v60;
	v48 =	vmul.f32 v40, v62;
	v52 =	vadd.f32 $-7.289873360e-01, v61  }
.LBB2_2:
0x82: {  	v33 =	vmul.f32 $6.931471820e-01, v33;
	v57 =	vmul.f32 $6.931471820e-01, v38  }
0x83: {  	v43 =	vmul.f32 v43, v51;
	v50 =	vmul.f32 v34, v50;
	v2 =	vand.u32 $0x7FFFFF, v49  }
0x84: {  	v52 =	vmul.f32 v37, v52;
	v46 =	vadd.f32 $2.112410780e+00, v46;
	v47 =	vmul.f32 $6.931471820e-01, v47  }
0x85: {  	v53 =	vld [tilespmem:s25+$0x0];
	v3 =	vshra.s32 v49, $0x17;
	v42 =	vmul.f32 $6.931471820e-01, v42;
	v48 =	vadd.f32 $2.112410780e+00, v48  }
0x86: {  	v45 =	vmul.f32 $6.931471820e-01, v45;
	v60 =	vadd.f32 $-7.289873360e-01, v44;
	v35 =	vmul.f32 $6.931471820e-01, v35  }
0x87: {  	v51 =	vor.u32 $0x3F800000, v2;
	v49 =	vcvt.s32.f32 v3;
	v43 =	vadd.f32 $-8.952233880e+01, v43  }
0x88: {  	v54 =	vmul.f32 $1.096711610e-01, v51;
	v50 =	vadd.f32 $2.112410780e+00, v50;
	v40 =	vmul.f32 v40, v48  }
0x89: {  	v46 =	vmul.f32 v36, v46;
	v36 =	vld [tilespmem:s24+$0x0];
	v41 =	vadd.f32 v41, v45;
	v59 =	vadd.f32 $2.112410780e+00, v52  }
0x8a: {  	v0 =	vld [tilespmem:$0x1FF80];
	v53 =	vshll.u32 v53, $0x2;
	v50 =	vmul.f32 v34, v50;
	v40 =	vadd.f32 $-8.952233880e+01, v40  }
0x8b: {  	v43 =	vadd.f32 v43, v47;
	v4 =	vadd.f32 $-7.289873360e-01, v54;
	v61 =	vmul.f32 v37, v59;
	v59 =	vld [tilespmem:$0x1FFB0]  }
0x8c: {  	v5 =	vor.u32 $0x1, v53;
	v58 =	vadd.f32 $-8.952233880e+01, v50;
	v40 =	vadd.f32 v40, v57;
	v57 =	vld [tilespmem:$0x1FF90]  }
0x8d: {  	v56 =	vor.u32 $0x3, v53;
	v43 =	vmax.f32 v43, $-2.302585030e+01;
	v45 =	vadd.f32 $-8.952233880e+01, v61;
	v61 =	vld [tilespmem:$0x1FFD0]  }
0x8e: {  	s26 =	sadd.s32 $0x80, s26;
	s29 =	smov.u32 s23;
	s31 =	sand.u32 $0x70, s22;
	v46 =	vadd.f32 $-8.952233880e+01, v46;
	v43 =	vmul.f32 v43, v36;
	v33 =	vadd.f32 v58, v33;
	v58 =	vld [tilespmem:$0x1FFA0]  }
0x8f: {  	s28 =	sor.u32 s26, s29;
	s22 =	smov.u32 s29;
	s29 =	sor.u32 s31, s21;
	v41 =	vmax.f32 v41, $-2.302585030e+01;
	v55 =	vor.u32 $0x2, v53;
	v47 =	vmul.f32 v51, v4;
	v34 =	vld.idx.msk [tilespmem:v53+s10+$0x0], $0xffff  }
0x90: {  	v42 =	vadd.f32 v46, v42;
	v46 =	vmul.f32 $6.931471820e-01, v49;
	[tilespmem:s29+$0x2680] =	vst v43;
	v43 =	vmul.f32 v32, v60;
	v60 =	vld [tilespmem:$0x1FFC0]  }
0x91: {  	v49 =	vmul.f32 $6.931471820e-01, v39;
	v62 =	vmul.f32 v41, v36;
	v40 =	vmax.f32 v40, $-2.302585030e+01;
	v38 =	vld.idx.msk [tilespmem:v5+s10+$0x0], $0xffff  }
0x92: {  	s18 =	sadd.s32 $0x10, s18;
	v42 =	vmax.f32 v42, $-2.302585030e+01;
	v47 =	vadd.f32 $2.112410780e+00, v47;
	v35 =	vadd.f32 v45, v35;
	v44 =	vld.idx.msk [tilespmem:v56+s10+$0x0], $0xffff  }
0x93: {  	v63 =	vmul.f32 v40, v36;
	v42 =	vmul.f32 v42, v36;
	v41 =	vld [tilespmem:s18+$0x0];
	v5 =	vmax.f32 v33, $-2.302585030e+01  }
0x94: {  	v48 =	vld.idx.msk [tilespmem:v55+s10+$0x0], $0xffff;
	v47 =	vmul.f32 v51, v47;
	v35 =	vmax.f32 v35, $-2.302585030e+01;
	v4 =	vadd.f32 $2.112410780e+00, v43  }
0x95: {  	[tilespmem:s29+$0x2880] =	vst v62;
	v62 =	vld [tilespmem:$0x1FFE0];
	v43 =	vmul.f32 v5, v36;
	v35 =	vmul.f32 v35, v36  }
0x96: {  	v4 =	vmul.f32 v32, v4;
	v37 =	vmul.f32 v34, v8  }
0x97: {  	v33 =	vmul.f32 v34, v0;
	v50 =	vmul.f32 v34, v57  }
0x98: {  	v54 =	vmul.f32 v34, v16;
	v39 =	vmul.f32 v38, v58  }
0x99: {  	v52 =	vmul.f32 v38, v59;
	v53 =	vmul.f32 v38, v60  }
0x9a: {  	v47 =	vadd.f32 $-8.952233880e+01, v47;
	v55 =	vmul.f32 v44, v61;
	v56 =	vmul.f32 v38, v62  }
0x9b: {  	[tilespmem:s29+$0x2900] =	vst v63;
	v63 =	vld [tilespmem:$0x1FFF0];
	v51 =	vmul.f32 v48, v18;
	v40 =	vmul.f32 v48, v10  }
0x9c: {  	[tilespmem:s29+$0x2600] =	vst v35;
	v35 =	vadd.f32 v47, v46;
	v5 =	vmul.f32 v48, v14;
	v57 =	vmul.f32 v48, v22  }
0x9d: {  	vm1 =	veq.s32 v41, $0x2;
	v58 =	vmul.f32 v34, v24;
	v59 =	vmul.f32 v48, v26  }
0x9e: {  	vm0 =	veq.s32 v41, $0x0;
	v61 =	vmul.f32 v44, v20;
	v62 =	vmul.f32 v38, v13  }
0x9f: {  	vm2 =	veq.s32 v41, $0x1;
	v2 =	vmul.f32 v38, v9;
	v3 =	vmul.f32 v44, v11  }
0xa0: {  	v32 =	vadd.f32 $-8.952233880e+01, v4;
	v4 =	vmul.f32 v44, v27;
	v41 =	vmul.f32 v34, v63  }
0xa1: {  	[tilespmem:s29+$0x2780] =	vst v43;
	v63 =	vmul.f32 v44, v23;
	v35 =	vmax.f32 v35, $-2.302585030e+01;
	v43 =	vadd.f32 v55, v5  }
0xa2: {  	v60 =	vsel vm1, v5, v55;
	v0 =	vadd.f32 v39, v58;
	v46 =	vadd.f32 v62, v33  }
0xa3: {  	v55 =	vmul.f32 v48, v21;
	v47 =	vadd.f32 v53, v50;
	v32 =	vadd.f32 v32, v49  }
0xa4: {  	v49 =	vadd.f32 v2, v37;
	v5 =	vmul.f32 v44, v19;
	v35 =	vmul.f32 v35, v36  }
0xa5: {  	v45 =	vadd.f32 v56, v41;
	v60 =	vsel vm2, v62, v60;
	v1 =	vsel vm1, v55, v61  }
0xa6: {  	v55 =	vadd.f32 v61, v55;
	v61 =	vsel vm1, v57, v63;
	v57 =	vadd.f32 v63, v57  }
0xa7: {  	v63 =	vmul.f32 v34, v28;
	v32 =	vmax.f32 v32, $-2.302585030e+01;
	v6 =	vadd.f32 v5, v51  }
0xa8: {  	v5 =	vsel vm1, v51, v5;
	v51 =	vmul.f32 v48, v30;
	v43 =	vadd.f32 v43, v46  }
0xa9: {  	v33 =	vsel vm0, v33, v60;
	v45 =	vadd.f32 v57, v45;
	v57 =	vmul.f32 v44, v31  }
0xaa: {  	v56 =	vsel vm2, v56, v61;
	v61 =	vsel vm1, v40, v3;
	v32 =	vmul.f32 v32, v36  }
0xab: {  	v1 =	vsel vm2, v53, v1;
	v62 =	vadd.f32 v52, v63;
	v7 =	vadd.f32 v57, v51  }
0xac: {  	v3 =	vadd.f32 v3, v40;
	v51 =	vsel vm1, v51, v57;
	v57 =	vadd.f32 v4, v59  }
0xad: {  	v44 =	vmul.f32 v44, v15;
	(erf) = vrcp.f32 v45;
	v7 =	vadd.f32 v7, v62  }
0xae: {  	v51 =	vsel vm2, v52, v51;
	v0 =	vadd.f32 v57, v0;
	v62 =	vmul.f32 v48, v29  }
0xaf: {  	v51 =	vsel vm0, v63, v51;
	v63 =	vmul.f32 v38, v25;
	(erf) = vrcp.f32 v7  }
0xb0: {  	v1 =	vsel vm0, v50, v1;
	v7 =	vmul.f32 v34, v12;
	(erf) = vrcp.f32 v0  }
0xb1: {  	v50 =	vsel vm2, v2, v61;
	v53 =	vsel vm0, v41, v56;
	v45 =	vmul.f32 v38, v17  }
0xb2: {  	v46 =	vadd.f32 v44, v62;
	v48 =	vadd.f32 v63, v7;
	(erf) = vrcp.f32 v43  }
0xb3: {  	v4 =	vsel vm1, v59, v4;
	v59 =	vadd.f32 v3, v49;
	v52 =	vadd.f32 v45, v54  }
0xb4: {  	v4 =	vsel vm2, v39, v4;
	v5 =	vsel vm2, v45, v5;
	v38 =	vadd.f32 v46, v48  }
0xb5: {  	v4 =	vsel vm0, v58, v4;
	v56 =	vadd.f32 v6, v52;
	v6 =	vadd.f32 v55, v47  }
0xb6: {  	v5 =	vsel vm0, v54, v5;
	v36 =	vsel vm1, v62, v44;
	v57 =	vpop (erf);
	(erf) = vrcp.f32 v38  }
0xb7: {  	[tilespmem:s29+$0x2700] =	vst v32;
	v32 =	vmul.f32 v57, v53;
	(erf) = vrcp.f32 v6;
	v6 =	vsel vm2, v63, v36  }
0xb8: {  	v0 =	vsel vm0, v37, v50;
	(erf) = vrcp.f32 v56;
	v6 =	vsel vm0, v7, v6;
	v58 =	vpop (erf)  }
0xb9: {  	v61 =	vshra.s32 v32, $0x17;
	v62 =	vand.u32 $0x7FFFFF, v32;
	v2 =	vmul.f32 v58, v51;
	v60 =	vpop (erf)  }
0xba: {  	(erf) = vrcp.f32 v59;
	v34 =	vor.u32 $0x3F800000, v62;
	v3 =	vmul.f32 v60, v4  }
0xbb: {  	v44 =	vpop (erf);
	v60 =	vmul.f32 $1.096711610e-01, v34;
	v7 =	vshra.s32 v2, $0x17;
	v2 =	vand.u32 $0x7FFFFF, v2  }
0xbc: {  	v45 =	vmul.f32 v44, v33;
	v33 =	vcvt.s32.f32 v61;
	v2 =	vor.u32 $0x3F800000, v2  }
0xbd: {  	v46 =	vand.u32 $0x7FFFFF, v3;
	v3 =	vshra.s32 v3, $0x17;
	v63 =	vmul.f32 $1.096711610e-01, v2  }
0xbe: {  	v36 =	vor.u32 $0x3F800000, v46;
	v49 =	vshra.s32 v45, $0x17;
	v50 =	vand.u32 $0x7FFFFF, v45  }
0xbf: {  	[tilespmem:s29+$0x2800] =	vst v42;
	v42 =	vcvt.s32.f32 v3;
	v48 =	vpop (erf);
	v51 =	vmul.f32 $1.096711610e-01, v36;
	v43 =	vor.u32 $0x3F800000, v50  }
0xc0: {  	v45 =	vcvt.s32.f32 v7;
	v47 =	vadd.f32 $-7.289873360e-01, v63;
	v39 =	vpop (erf);
	v40 =	vmul.f32 $1.096711610e-01, v43  }
0xc1: {  	v50 =	vadd.f32 $-7.289873360e-01, v60;
	v6 =	vmul.f32 v48, v6;
	v52 =	vpop (erf);
	v53 =	vadd.f32 $-7.289873360e-01, v51  }
0xc2: {  	v4 =	vmul.f32 v2, v47;
	v5 =	vmul.f32 v52, v5;
	v55 =	vadd.f32 $-7.289873360e-01, v40  }
0xc3: {  	v32 =	vshra.s32 v6, $0x17;
	v6 =	vand.u32 $0x7FFFFF, v6;
	v56 =	vpop (erf);
	v47 =	vcvt.s32.f32 v49  }
0xc4: {  	v49 =	vmul.f32 v39, v1;
	v0 =	vmul.f32 v56, v0;
	v40 =	vor.u32 $0x3F800000, v6  }
0xc5: {  	v38 =	vcvt.s32.f32 v32;
	v46 =	vmul.f32 v36, v53;
	v54 =	vadd.f32 $2.112410780e+00, v4  }
0xc6: {  	p0 =	sne.s32 s23, $0x1F0;
	v57 =	vand.u32 $0x7FFFFF, v5;
	v6 =	vmul.f32 $1.096711610e-01, v40;
	v59 =	vmul.f32 v43, v55  }
.Ltmp0:
0xc7: {  	v63 =	vshra.s32 v5, $0x17;
	v58 =	vand.u32 $0x7FFFFF, v0;
	v0 =	vshra.s32 v0, $0x17;
	(pc) =	sbr.rel @p0 .LBB2_2-.Ltmp0, $4  }
0xc8: {  	v32 =	vor.u32 $0x3F800000, v57;
	v39 =	vcvt.s32.f32 v63;
	v37 =	vor.u32 $0x3F800000, v58  }
0xc9: {  	s19 =	sadd.s32 $0x10, s19;
	s31 =	sor.u32 $0x380, s20;
	v2 =	vmul.f32 v2, v54;
	v62 =	vadd.f32 $-7.289873360e-01, v6;
	v61 =	vmul.f32 $1.096711610e-01, v37  }
0xca: {  	s23 =	sadd.s32 $0x10, s23;
	s25 =	sadd.s32 $0x10, s25;
	s30 =	sand.u32 $0xC00, s26;
	[tilespmem:s31+$0x2600] =	vst v35;
	v35 =	vcvt.s32.f32 v0;
	v51 =	vadd.f32 $2.112410780e+00, v59;
	v44 =	vmul.f32 $1.096711610e-01, v32  }
0xcb: {  	s21 =	smov.u32 s30;
	s20 =	smov.u32 s28;
	s24 =	smov.u32 s19;
	v41 =	vadd.f32 $-8.952233880e+01, v2;
	v48 =	vmul.f32 v40, v62;
	v52 =	vadd.f32 $-7.289873360e-01, v61  }
0xcc: {  	v0 =	vmul.f32 v43, v51  }
0xcd: {  	v1 =	vmul.f32 v34, v50;
	v2 =	vand.u32 $0x7FFFFF, v49;
	v5 =	vmul.f32 $6.931471820e-01, v47  }
0xce: {  	v3 =	vadd.f32 $2.112410780e+00, v46;
	v9 =	vmul.f32 $6.931471820e-01, v42;
	v55 =	vmul.f32 $6.931471820e-01, v45  }
0xcf: {  	v8 =	vshra.s32 v49, $0x17;
	v11 =	vmul.f32 $6.931471820e-01, v33;
	v13 =	vmul.f32 $6.931471820e-01, v38  }
0xd0: {  	v12 =	vadd.f32 $-7.289873360e-01, v44;
	v58 =	vmul.f32 $6.931471820e-01, v35;
	v59 =	vmul.f32 $6.931471820e-01, v39  }
0xd1: {  	v4 =	vmul.f32 v37, v52;
	v2 =	vor.u32 $0x3F800000, v2;
	v10 =	vadd.f32 $2.112410780e+00, v48  }
0xd2: {  	v8 =	vcvt.s32.f32 v8;
	v0 =	vadd.f32 $-8.952233880e+01, v0;
	v6 =	vmul.f32 $1.096711610e-01, v2  }
0xd3: {  	v3 =	vmul.f32 v36, v3;
	v1 =	vadd.f32 $2.112410780e+00, v1;
	v12 =	vmul.f32 v32, v12  }
0xd4: {  	v7 =	vld [tilespmem:s24+$0x0];
	v10 =	vmul.f32 v40, v10;
	v4 =	vadd.f32 $2.112410780e+00, v4;
	v0 =	vadd.f32 v0, v5  }
0xd5: {  	v8 =	vmul.f32 $6.931471820e-01, v8;
	v54 =	vadd.f32 $-7.289873360e-01, v6;
	v3 =	vadd.f32 $-8.952233880e+01, v3  }
0xd6: {  	v1 =	vmul.f32 v34, v1;
	v6 =	vadd.f32 v41, v55;
	v57 =	vadd.f32 $2.112410780e+00, v12  }
0xd7: {  	v10 =	vadd.f32 $-8.952233880e+01, v10;
	v4 =	vmul.f32 v37, v4;
	v5 =	vmul.f32 v2, v54  }
0xd8: {  	v0 =	vmax.f32 v0, $-2.302585030e+01;
	v1 =	vadd.f32 $-8.952233880e+01, v1;
	v3 =	vadd.f32 v3, v9  }
0xd9: {  	v6 =	vmax.f32 v6, $-2.302585030e+01;
	v0 =	vmul.f32 v0, v7;
	v5 =	vadd.f32 $2.112410780e+00, v5  }
0xda: {  	v56 =	vadd.f32 v10, v13;
	v6 =	vmul.f32 v6, v7;
	v10 =	vmul.f32 v32, v57  }
0xdb: {  	s18 =	sand.u32 $0x70, s22;
	v4 =	vadd.f32 $-8.952233880e+01, v4;
	v1 =	vadd.f32 v1, v11;
	v2 =	vmul.f32 v2, v5  }
0xdc: {  	s18 =	sor.u32 s18, s21;
	v3 =	vmax.f32 v3, $-2.302585030e+01;
	v9 =	vmax.f32 v56, $-2.302585030e+01;
	v10 =	vadd.f32 $-8.952233880e+01, v10  }
0xdd: {  	v4 =	vadd.f32 v4, v58;
	[tilespmem:s18+$0x2680] =	vst v0;
	v3 =	vmul.f32 v3, v7;
	v2 =	vadd.f32 $-8.952233880e+01, v2  }
0xde: {  	[tilespmem:s18+$0x2880] =	vst v6;
	v60 =	vmul.f32 v9, v7;
	v1 =	vmax.f32 v1, $-2.302585030e+01;
	v5 =	vadd.f32 v10, v59  }
0xdf: {  	v1 =	vmul.f32 v1, v7;
	v4 =	vmax.f32 v4, $-2.302585030e+01;
	[tilespmem:s18+$0x2800] =	vst v3;
	v2 =	vadd.f32 v2, v8  }
0xe0: {  	[tilespmem:s18+$0x2900] =	vst v60;
	v61 =	vmul.f32 v4, v7;
	v62 =	vmax.f32 v5, $-2.302585030e+01  }
0xe1: {  	[tilespmem:s18+$0x2780] =	vst v1;
	v1 =	vmul.f32 v62, v7;
	v63 =	vmax.f32 v2, $-2.302585030e+01  }
0xe2: {  	s17 =	sadd.s32 $0x1, s17;
	[tilespmem:s18+$0x2600] =	vst v61;
	v0 =	vmul.f32 v63, v7  }
0xe3: {  	s19 =	sor.u32 $0x380, s20;
	p0 =	sne.s32 s17, s9;
	[tilespmem:s18+$0x2700] =	vst v1  }
.Ltmp1:
0xe4: {  	[tilespmem:s19+$0x2600] =	vst v0;
	(pc) =	sbr.rel @p0 .LBB2_1-.Ltmp1, $4  }
0xe5: {  	[hbm4b:s8+s2] =	stream.linear.scatter [tilespmem:s16], [sflag:$0x5], $0x1000, $0x38;
	[tilespmem:$0x3600] =	vst v63  }
0xe6: {  	_ =	swait.ge [sflag:s11], $0x1000  }
0xe7: {  	[sflag:s11] =	ssyncset.done $0x0  }
0xe8: {  	[sflag:s11] =	ssyncadd.s32 $0xFFFFF000  }
0xe9: {  	_ =	sfence.sel $0x180000  }
0xea: {  	[bflag:$0x0] =	sbarrier.arrive $0xFFFF  }
0xeb: {  	p0 =	sne.s32 s1, $0x0;
	_ =	strace $0x90000047  }
0xec: {  	s0 =	sadd.s32 @!p0 $0x100000, s0;
	[bflag:$0x2] =	sbarrier.arrive $0xFFFF  }
0xed: {  	[sflag:s0] =	ssyncadd.tile.s32 @!p0 $0x1;
	_ =	shalt  }
.Lfunc_end2:
_tile_overlayer_lowered:
.L_overlay_start_2:
0xee: {  	(tag) =	ssettag $0x2  }
0xef: {  	s0 =	rddreg [dreg:$0x0];
	s2 =	stileid.u32  }
0xf0: {  	s1 =	rddreg [dreg:$0x1];
	p0 =	sne.s32 s2, $0x0  }
0xf1: {  	s3 =	rddreg [dreg:$0x2];
	[bflag:$0x3] =	sbarrier.arrive $0xFFFF;
	s2 =	simm.s32 @!p0 $0x1C05  }
0xf2: {  	[timem:s3], [sflag:s2] =	dma.local @!p0 [hbm:s0], s1  }
0xf3: {  	s0 =	simm.s32 @!p0 $0x5  }
0xf4: {  	_ =	swait.ge @!p0 [sflag:s0], s1  }
0xf5: {  	s1 =	ssub.s32 @!p0 $0x0, s1;
	[sflag:s0] =	ssyncset.done @!p0 $0x0  }
0xf6: {  	[sflag:s0] =	ssyncadd.s32 @!p0 s1  }
0xf7: {  	[bflag:$0x3] =	sbarrier.arrive $0xFFFF  }
0xf8: {  	_ =	shalt  }

</sc_bundles>
